<compile_context>
chip_gen: v7x
topology: tpu7x:2x2x1
jax: 0.10.2.dev20260603
libtpu: 0.0.44.dev20260713+nightly
codegen_flags: <defaults>
</compile_context>

<pallas_src>
import functools

import jax
import jax.numpy as jnp
from jax import lax
from jax.experimental import pallas as pl
from jax.experimental.pallas import tpu as pltpu
from jax.experimental.pallas import tpu_sc as plsc

PRE_SEQ_LEN = 128
BATCH = 16
EMB_DIM = 18432
N_ROWS = BATCH * PRE_SEQ_LEN
NW = 32
ROWS_PER_W = N_ROWS // NW
NBUF = 4

_MESH = plsc.VectorSubcoreMesh(core_axis_name="core", subcore_axis_name="subcore")


@functools.partial(
    pl.kernel,
    mesh=_MESH,
    out_type=jax.ShapeDtypeStruct((N_ROWS, EMB_DIM), jnp.float32),
    scratch_types=[
        pltpu.VMEM((1, 128), jnp.int32),
        pltpu.VMEM((NBUF, 1, EMB_DIM), jnp.float32),
        pltpu.SemaphoreType.DMA,
        pltpu.SemaphoreType.DMA((NBUF,)),
        pltpu.SemaphoreType.DMA((NBUF,)),
    ],
)
def _sc_gather(tbl_hbm, idx_hbm, out_hbm, idx_v, bufs, sem_i, sem_g, sem_o):
    wid = lax.axis_index("subcore") * 2 + lax.axis_index("core")
    base = wid * ROWS_PER_W
    half = (wid % 2) * ROWS_PER_W

    cp_i = pltpu.make_async_copy(idx_hbm.at[pl.ds(wid // 2, 1)], idx_v, sem_i)
    cp_i.start()
    cp_i.wait()

    def gather(g, b):
        return pltpu.make_async_copy(
            tbl_hbm.at[idx_v.at[0, pl.ds(half + g, 1)]], bufs.at[b], sem_g.at[b]
        )

    def put(g, b):
        return pltpu.make_async_copy(
            bufs.at[b], out_hbm.at[pl.ds(base + g, 1)], sem_o.at[b]
        )

    for b in range(NBUF - 1):
        gather(b, b).start()

    @pl.loop(0, ROWS_PER_W, step=NBUF)
    def _(g0):
        for j in range(NBUF):
            g = g0 + j
            gather(g, j).wait()
            put(g, j).start()
            nxt = g + NBUF - 1
            bn = (j + NBUF - 1) % NBUF
            prev = g - 1

            @pl.when(nxt < ROWS_PER_W)
            def _():
                @pl.when(prev >= 0)
                def _():
                    put(prev, bn).wait()

                gather(nxt, bn).start()

    for j in range(NBUF):
        put(ROWS_PER_W - NBUF + j, j).wait()


def kernel(prefix, embedding_table):
    out = _sc_gather(embedding_table, prefix)
    return out.reshape(BATCH, PRE_SEQ_LEN, EMB_DIM)

# --- scband reference (transcript-rebuilt; emitter-appended) ---
"""Pipeline reference for scband-prefix-encoder-70738111365749 (READ-ONLY COPY).

The authoritative reference and input builder live on the scoring server;
editing this copy changes nothing except your own understanding.
"""

import jax, jax.numpy as jnp
import numpy as np

PRE_SEQ_LEN = 128
NUM_HIDDEN_LAYERS = 12
HIDDEN_SIZE = 768
EMB_DIM = NUM_HIDDEN_LAYERS * 2 * HIDDEN_SIZE  # 18432 ('ours' tuning method)
BATCH = 16


def setup_inputs(seed: int = 0) -> dict:
    key = jax.random.key(seed)
    k_idx, k_tbl = jax.random.split(key)
    prefix = jax.random.randint(k_idx, (BATCH, PRE_SEQ_LEN), 0, PRE_SEQ_LEN, dtype=jnp.int32)
    embedding_table = jax.random.normal(k_tbl, (PRE_SEQ_LEN, EMB_DIM), dtype=jnp.float32) * 0.02
    return {"prefix": prefix, "embedding_table": embedding_table}


def reference(prefix, embedding_table):
    # PrefixEncoder.forward: past_key_values = self.embedding(prefix)
    past_key_values = jnp.take(embedding_table, prefix, axis=0)
    return past_key_values

if __name__ == "__main__":
    import jax
    _d = setup_inputs()
    print(jax.jit(kernel)(*tuple(_d.values())))

</pallas_src>

<mosaic_0001>
#map = affine_map<(d0, d1) -> (0, 0)>
module attributes {stable_mosaic.version = 14 : i64} {
  func.func @_sc_gather(%arg0: i32, %arg1: i32, %arg2: memref<128x18432xf32, #tpu.memory_space<hbm>>, %arg3: memref<16x128xi32, #tpu.memory_space<hbm>>, %arg4: memref<2048x18432xf32, #tpu.memory_space<hbm>>, %arg5: memref<1x128xi32, #tpu.memory_space<vmem>>, %arg6: memref<4x1x18432xf32, #tpu.memory_space<vmem>>, %arg7: memref<!tpu.dma_semaphore, #tpu.memory_space<semaphore_mem>>, %arg8: memref<4x!tpu.dma_semaphore, #tpu.memory_space<semaphore_mem>>, %arg9: memref<4x!tpu.dma_semaphore, #tpu.memory_space<semaphore_mem>>) attributes {dimension_semantics = [#tpu.dimension_semantics<core_parallel>, #tpu.dimension_semantics<subcore_parallel>], iteration_bounds = array<i64: 2, 16>, scalar_prefetch = 0 : i64, scratch_operands = 5 : i64, tpu.core_type = #tpu.core_type<sc_vector_subcore>, window_params = [{transform_indices = #map}, {transform_indices = #map}, {transform_indices = #map}]} {
    %mul3A = arith.constant 2 : i32
    %mul3A_0 = arith.muli %arg1, %mul3A : i32
    %add3A = arith.addi %mul3A_0, %arg0 : i32
    %mul3A_1 = arith.constant 64 : i32
    %mul3A_2 = arith.muli %add3A, %mul3A_1 : i32
    %jit3A = arith.constant 2 : i32
    %eq3A = arith.constant 0 : i32
    %eq3A_3 = arith.cmpi eq, %jit3A, %eq3A : i32
    %jit3A_4 = arith.constant 1 : i32
    %select_n3A = arith.select %eq3A_3, %jit3A_4, %jit3A : i32
    %rem3A = arith.remsi %add3A, %select_n3A : i32
    %ne3A = arith.constant 0 : i32
    %ne3A_5 = arith.cmpi ne, %rem3A, %ne3A : i32
    %lt3A = arith.constant 0 : i32
    %lt3A_6 = arith.cmpi slt, %rem3A, %lt3A : i32
    %lt3A_7 = arith.constant 0 : i32
    %lt3A_8 = arith.cmpi slt, %select_n3A, %lt3A_7 : i32
    %ne3A_9 = arith.xori %lt3A_6, %lt3A_8 : i1
    %and3A = arith.andi %ne3A_9, %ne3A_5 : i1
    %add3A_10 = arith.addi %rem3A, %select_n3A : i32
    %select_n3A_11 = arith.select %and3A, %add3A_10, %rem3A : i32
    %mul3A_12 = arith.constant 64 : i32
    %mul3A_13 = arith.muli %select_n3A_11, %mul3A_12 : i32
    %jit3A_14 = arith.constant 2 : i32
    %div3A = arith.divsi %add3A, %jit3A_14 : i32
    %sign3A = arith.constant 0 : i32
    %sign3A_15 = arith.cmpi sgt, %add3A, %sign3A : i32
    %sign3A_16 = arith.extui %sign3A_15 : i1 to i32
    %sign3A_17 = arith.constant 0 : i32
    %sign3A_18 = arith.cmpi slt, %add3A, %sign3A_17 : i32
    %sign3A_19 = arith.extui %sign3A_18 : i1 to i32
    %sign3A_20 = arith.subi %sign3A_16, %sign3A_19 : i32
    %sign3A_21 = arith.constant 0 : i32
    %sign3A_22 = arith.cmpi sgt, %jit3A_14, %sign3A_21 : i32
    %sign3A_23 = arith.extui %sign3A_22 : i1 to i32
    %sign3A_24 = arith.constant 0 : i32
    %sign3A_25 = arith.cmpi slt, %jit3A_14, %sign3A_24 : i32
    %sign3A_26 = arith.extui %sign3A_25 : i1 to i32
    %sign3A_27 = arith.subi %sign3A_23, %sign3A_26 : i32
    %ne3A_28 = arith.cmpi ne, %sign3A_20, %sign3A_27 : i32
    %rem3A_29 = arith.remsi %add3A, %jit3A_14 : i32
    %ne3A_30 = arith.constant 0 : i32
    %ne3A_31 = arith.cmpi ne, %rem3A_29, %ne3A_30 : i32
    %and3A_32 = arith.andi %ne3A_28, %ne3A_31 : i1
    %sub3A = arith.constant 1 : i32
    %sub3A_33 = arith.subi %div3A, %sub3A : i32
    %select_n3A_34 = arith.select %and3A_32, %sub3A_33, %div3A : i32
    %dma_start3A = arith.constant 0 : i32
    %dma_start3A_35 = tpu.memref_slice %arg3[%select_n3A_34, %dma_start3A] : memref<16x128xi32, #tpu.memory_space<hbm>> -> memref<1x128xi32, #tpu.memory_space<hbm>>
    %dma_start3A_36 = arith.constant 0 : i32
    %dma_start3A_37 = tpu.memref_slice %arg3[%select_n3A_34, %dma_start3A_36] : memref<16x128xi32, #tpu.memory_space<hbm>> -> memref<1x128xi32, #tpu.memory_space<hbm>>
    tpu.enqueue_dma source(%dma_start3A_37 : memref<1x128xi32, #tpu.memory_space<hbm>>) target(%arg5 : memref<1x128xi32, #tpu.memory_space<vmem>>) target_semaphore(%arg7 : memref<!tpu.dma_semaphore, #tpu.memory_space<semaphore_mem>>)
    %dma_wait3A = arith.constant 0 : i32
    %dma_wait3A_38 = tpu.memref_slice %arg3[%select_n3A_34, %dma_wait3A] : memref<16x128xi32, #tpu.memory_space<hbm>> -> memref<1x128xi32, #tpu.memory_space<hbm>>
    %dma_wait3A_39 = arith.constant 0 : i32
    %dma_wait3A_40 = tpu.memref_slice %arg3[%select_n3A_34, %dma_wait3A_39] : memref<16x128xi32, #tpu.memory_space<hbm>> -> memref<1x128xi32, #tpu.memory_space<hbm>>
    tpu.wait_dma2 semaphore(%arg7 : memref<!tpu.dma_semaphore, #tpu.memory_space<semaphore_mem>>) src(%dma_wait3A_40 : memref<1x128xi32, #tpu.memory_space<hbm>>) dst(%arg5 : memref<1x128xi32, #tpu.memory_space<vmem>>)
    %add3A_41 = arith.constant 0 : i32
    %add3A_42 = arith.addi %mul3A_13, %add3A_41 : i32
    %dma_start3A_43 = arith.constant 0 : i32
    %dma_start3A_44 = arith.constant 0 : i32
    %dma_start3A_45 = arith.constant 0 : i32
    %dma_start3A_46 = arith.constant 0 : i32
    %dma_start3A_47 = arith.constant 0 : i32
    %dma_start3A_48 = tpu.memref_slice %arg6[%dma_start3A_44, %dma_start3A_46, %dma_start3A_47] : memref<4x1x18432xf32, #tpu.memory_space<vmem>> -> memref<1x1x18432xf32, #tpu.memory_space<vmem>>
    %dma_start3A_49 = tpu.memref_squeeze %dma_start3A_48 : memref<1x1x18432xf32, #tpu.memory_space<vmem>> -> memref<1x18432xf32, #tpu.memory_space<vmem>>
    %dma_start3A_50 = tpu.memref_slice %arg5[%dma_start3A_43, %add3A_42] : memref<1x128xi32, #tpu.memory_space<vmem>> -> memref<1x1xi32, #tpu.memory_space<vmem>>
    %dma_start3A_51 = tpu.memref_squeeze %dma_start3A_50 : memref<1x1xi32, #tpu.memory_space<vmem>> -> memref<1xi32, #tpu.memory_space<vmem>>
    %dma_start3A_52 = arith.constant 0 : i32
    %dma_start3A_53 = arith.constant 0 : i32
    %dma_start3A_54 = tpu.memref_slice %arg2[%dma_start3A_52, %dma_start3A_53] : memref<128x18432xf32, #tpu.memory_space<hbm>> -> memref<128x18432xf32, #tpu.memory_space<hbm>>
    %dma_start3A_55 = tpu.memref_slice %arg8[%dma_start3A_45] : memref<4x!tpu.dma_semaphore, #tpu.memory_space<semaphore_mem>> -> memref<1x!tpu.dma_semaphore, #tpu.memory_space<semaphore_mem>>
    %dma_start3A_56 = tpu.memref_squeeze %dma_start3A_55 : memref<1x!tpu.dma_semaphore, #tpu.memory_space<semaphore_mem>> -> memref<!tpu.dma_semaphore, #tpu.memory_space<semaphore_mem>>
    tpu.enqueue_indirect_dma source(%dma_start3A_54 : memref<128x18432xf32, #tpu.memory_space<hbm>>) target(%dma_start3A_49 : memref<1x18432xf32, #tpu.memory_space<vmem>>) offsets(%dma_start3A_51 : memref<1xi32, #tpu.memory_space<vmem>>) semaphore(%dma_start3A_56 : memref<!tpu.dma_semaphore, #tpu.memory_space<semaphore_mem>>)
    %add3A_57 = arith.constant 1 : i32
    %add3A_58 = arith.addi %mul3A_13, %add3A_57 : i32
    %dma_start3A_59 = arith.constant 0 : i32
    %dma_start3A_60 = arith.constant 1 : i32
    %dma_start3A_61 = arith.constant 1 : i32
    %dma_start3A_62 = arith.constant 0 : i32
    %dma_start3A_63 = arith.constant 0 : i32
    %dma_start3A_64 = tpu.memref_slice %arg6[%dma_start3A_60, %dma_start3A_62, %dma_start3A_63] : memref<4x1x18432xf32, #tpu.memory_space<vmem>> -> memref<1x1x18432xf32, #tpu.memory_space<vmem>>
    %dma_start3A_65 = tpu.memref_squeeze %dma_start3A_64 : memref<1x1x18432xf32, #tpu.memory_space<vmem>> -> memref<1x18432xf32, #tpu.memory_space<vmem>>
    %dma_start3A_66 = tpu.memref_slice %arg5[%dma_start3A_59, %add3A_58] : memref<1x128xi32, #tpu.memory_space<vmem>> -> memref<1x1xi32, #tpu.memory_space<vmem>>
    %dma_start3A_67 = tpu.memref_squeeze %dma_start3A_66 : memref<1x1xi32, #tpu.memory_space<vmem>> -> memref<1xi32, #tpu.memory_space<vmem>>
    %dma_start3A_68 = arith.constant 0 : i32
    %dma_start3A_69 = arith.constant 0 : i32
    %dma_start3A_70 = tpu.memref_slice %arg2[%dma_start3A_68, %dma_start3A_69] : memref<128x18432xf32, #tpu.memory_space<hbm>> -> memref<128x18432xf32, #tpu.memory_space<hbm>>
    %dma_start3A_71 = tpu.memref_slice %arg8[%dma_start3A_61] : memref<4x!tpu.dma_semaphore, #tpu.memory_space<semaphore_mem>> -> memref<1x!tpu.dma_semaphore, #tpu.memory_space<semaphore_mem>>
    %dma_start3A_72 = tpu.memref_squeeze %dma_start3A_71 : memref<1x!tpu.dma_semaphore, #tpu.memory_space<semaphore_mem>> -> memref<!tpu.dma_semaphore, #tpu.memory_space<semaphore_mem>>
    tpu.enqueue_indirect_dma source(%dma_start3A_70 : memref<128x18432xf32, #tpu.memory_space<hbm>>) target(%dma_start3A_65 : memref<1x18432xf32, #tpu.memory_space<vmem>>) offsets(%dma_start3A_67 : memref<1xi32, #tpu.memory_space<vmem>>) semaphore(%dma_start3A_72 : memref<!tpu.dma_semaphore, #tpu.memory_space<semaphore_mem>>)
    %add3A_73 = arith.constant 2 : i32
    %add3A_74 = arith.addi %mul3A_13, %add3A_73 : i32
    %dma_start3A_75 = arith.constant 0 : i32
    %dma_start3A_76 = arith.constant 2 : i32
    %dma_start3A_77 = arith.constant 2 : i32
    %dma_start3A_78 = arith.constant 0 : i32
    %dma_start3A_79 = arith.constant 0 : i32
    %dma_start3A_80 = tpu.memref_slice %arg6[%dma_start3A_76, %dma_start3A_78, %dma_start3A_79] : memref<4x1x18432xf32, #tpu.memory_space<vmem>> -> memref<1x1x18432xf32, #tpu.memory_space<vmem>>
    %dma_start3A_81 = tpu.memref_squeeze %dma_start3A_80 : memref<1x1x18432xf32, #tpu.memory_space<vmem>> -> memref<1x18432xf32, #tpu.memory_space<vmem>>
    %dma_start3A_82 = tpu.memref_slice %arg5[%dma_start3A_75, %add3A_74] : memref<1x128xi32, #tpu.memory_space<vmem>> -> memref<1x1xi32, #tpu.memory_space<vmem>>
    %dma_start3A_83 = tpu.memref_squeeze %dma_start3A_82 : memref<1x1xi32, #tpu.memory_space<vmem>> -> memref<1xi32, #tpu.memory_space<vmem>>
    %dma_start3A_84 = arith.constant 0 : i32
    %dma_start3A_85 = arith.constant 0 : i32
    %dma_start3A_86 = tpu.memref_slice %arg2[%dma_start3A_84, %dma_start3A_85] : memref<128x18432xf32, #tpu.memory_space<hbm>> -> memref<128x18432xf32, #tpu.memory_space<hbm>>
    %dma_start3A_87 = tpu.memref_slice %arg8[%dma_start3A_77] : memref<4x!tpu.dma_semaphore, #tpu.memory_space<semaphore_mem>> -> memref<1x!tpu.dma_semaphore, #tpu.memory_space<semaphore_mem>>
    %dma_start3A_88 = tpu.memref_squeeze %dma_start3A_87 : memref<1x!tpu.dma_semaphore, #tpu.memory_space<semaphore_mem>> -> memref<!tpu.dma_semaphore, #tpu.memory_space<semaphore_mem>>
    tpu.enqueue_indirect_dma source(%dma_start3A_86 : memref<128x18432xf32, #tpu.memory_space<hbm>>) target(%dma_start3A_81 : memref<1x18432xf32, #tpu.memory_space<vmem>>) offsets(%dma_start3A_83 : memref<1xi32, #tpu.memory_space<vmem>>) semaphore(%dma_start3A_88 : memref<!tpu.dma_semaphore, #tpu.memory_space<semaphore_mem>>)
    %scan3A = arith.constant 0 : i32
    %scan3A_89 = arith.constant 16 : i32
    %scan3A_90 = arith.addi %scan3A, %scan3A_89 : i32
    %scan3A_91 = arith.constant 1 : i32
    scf.for %scan3A_165 = %scan3A to %scan3A_90 step %scan3A_91  : i32 {
      %mul3A_166 = arith.constant 4 : i32
      %mul3A_167 = arith.muli %scan3A_165, %mul3A_166 : i32
      %add3A_168 = arith.constant 0 : i32
      %add3A_169 = arith.addi %add3A_168, %mul3A_167 : i32
      %add3A_170 = arith.constant 0 : i32
      %add3A_171 = arith.addi %add3A_169, %add3A_170 : i32
      %add3A_172 = arith.addi %mul3A_13, %add3A_171 : i32
      %dma_wait3A_173 = arith.constant 0 : i32
      %dma_wait3A_174 = arith.constant 0 : i32
      %dma_wait3A_175 = arith.constant 0 : i32
      %dma_wait3A_176 = arith.constant 0 : i32
      %dma_wait3A_177 = arith.constant 0 : i32
      %dma_wait3A_178 = tpu.memref_slice %arg6[%dma_wait3A_174, %dma_wait3A_176, %dma_wait3A_177] : memref<4x1x18432xf32, #tpu.memory_space<vmem>> -> memref<1x1x18432xf32, #tpu.memory_space<vmem>>
      %dma_wait3A_179 = tpu.memref_squeeze %dma_wait3A_178 : memref<1x1x18432xf32, #tpu.memory_space<vmem>> -> memref<1x18432xf32, #tpu.memory_space<vmem>>
      %dma_wait3A_180 = tpu.memref_slice %arg5[%dma_wait3A_173, %add3A_172] : memref<1x128xi32, #tpu.memory_space<vmem>> -> memref<1x1xi32, #tpu.memory_space<vmem>>
      %dma_wait3A_181 = tpu.memref_squeeze %dma_wait3A_180 : memref<1x1xi32, #tpu.memory_space<vmem>> -> memref<1xi32, #tpu.memory_space<vmem>>
      %dma_wait3A_182 = arith.constant 0 : i32
      %dma_wait3A_183 = arith.constant 0 : i32
      %dma_wait3A_184 = tpu.memref_slice %arg2[%dma_wait3A_182, %dma_wait3A_183] : memref<128x18432xf32, #tpu.memory_space<hbm>> -> memref<128x18432xf32, #tpu.memory_space<hbm>>
      %dma_wait3A_185 = tpu.memref_slice %arg8[%dma_wait3A_175] : memref<4x!tpu.dma_semaphore, #tpu.memory_space<semaphore_mem>> -> memref<1x!tpu.dma_semaphore, #tpu.memory_space<semaphore_mem>>
      %dma_wait3A_186 = tpu.memref_squeeze %dma_wait3A_185 : memref<1x!tpu.dma_semaphore, #tpu.memory_space<semaphore_mem>> -> memref<!tpu.dma_semaphore, #tpu.memory_space<semaphore_mem>>
      tpu.wait_indirect_dma semaphore(%dma_wait3A_186 : memref<!tpu.dma_semaphore, #tpu.memory_space<semaphore_mem>>) src(%dma_wait3A_184 : memref<128x18432xf32, #tpu.memory_space<hbm>>) dst(%dma_wait3A_179 : memref<1x18432xf32, #tpu.memory_space<vmem>>)
      %add3A_187 = arith.addi %mul3A_2, %add3A_171 : i32
      %dma_start3A_188 = arith.constant 0 : i32
      %dma_start3A_189 = arith.constant 0 : i32
      %dma_start3A_190 = arith.constant 0 : i32
      %dma_start3A_191 = arith.constant 0 : i32
      %dma_start3A_192 = tpu.memref_slice %arg6[%dma_start3A_188, %dma_start3A_190, %dma_start3A_191] : memref<4x1x18432xf32, #tpu.memory_space<vmem>> -> memref<1x1x18432xf32, #tpu.memory_space<vmem>>
      %dma_start3A_193 = tpu.memref_squeeze %dma_start3A_192 : memref<1x1x18432xf32, #tpu.memory_space<vmem>> -> memref<1x18432xf32, #tpu.memory_space<vmem>>
      %dma_start3A_194 = arith.constant 0 : i32
      %dma_start3A_195 = tpu.memref_slice %arg4[%add3A_187, %dma_start3A_194] : memref<2048x18432xf32, #tpu.memory_space<hbm>> -> memref<1x18432xf32, #tpu.memory_space<hbm>>
      %dma_start3A_196 = tpu.memref_slice %arg9[%dma_start3A_189] : memref<4x!tpu.dma_semaphore, #tpu.memory_space<semaphore_mem>> -> memref<1x!tpu.dma_semaphore, #tpu.memory_space<semaphore_mem>>
      %dma_start3A_197 = tpu.memref_squeeze %dma_start3A_196 : memref<1x!tpu.dma_semaphore, #tpu.memory_space<semaphore_mem>> -> memref<!tpu.dma_semaphore, #tpu.memory_space<semaphore_mem>>
      %dma_start3A_198 = arith.constant 0 : i32
      %dma_start3A_199 = tpu.memref_slice %arg4[%add3A_187, %dma_start3A_198] : memref<2048x18432xf32, #tpu.memory_space<hbm>> -> memref<1x18432xf32, #tpu.memory_space<hbm>>
      %dma_start3A_200 = arith.constant 0 : i32
      %dma_start3A_201 = arith.constant 0 : i32
      %dma_start3A_202 = tpu.memref_slice %arg6[%dma_start3A_188, %dma_start3A_200, %dma_start3A_201] : memref<4x1x18432xf32, #tpu.memory_space<vmem>> -> memref<1x1x18432xf32, #tpu.memory_space<vmem>>
      %dma_start3A_203 = tpu.memref_squeeze %dma_start3A_202 : memref<1x1x18432xf32, #tpu.memory_space<vmem>> -> memref<1x18432xf32, #tpu.memory_space<vmem>>
      tpu.enqueue_dma source(%dma_start3A_203 : memref<1x18432xf32, #tpu.memory_space<vmem>>) target(%dma_start3A_199 : memref<1x18432xf32, #tpu.memory_space<hbm>>) target_semaphore(%dma_start3A_197 : memref<!tpu.dma_semaphore, #tpu.memory_space<semaphore_mem>>)
      %add3A_204 = arith.constant 4 : i32
      %add3A_205 = arith.addi %add3A_171, %add3A_204 : i32
      %sub3A_206 = arith.constant 1 : i32
      %sub3A_207 = arith.subi %add3A_205, %sub3A_206 : i32
      %sub3A_208 = arith.constant 1 : i32
      %sub3A_209 = arith.subi %add3A_171, %sub3A_208 : i32
      %lt3A_210 = arith.constant 64 : i32
      %lt3A_211 = arith.cmpi slt, %sub3A_207, %lt3A_210 : i32
      %convert_element_type3A = arith.extui %lt3A_211 : i1 to i32
      %cond3A = arith.constant 0 : i32
      %cond3A_212 = arith.cmpi ne, %convert_element_type3A, %cond3A : i32
      scf.if %cond3A_212 {
        %ge3A = arith.constant 0 : i32
        %ge3A_348 = arith.cmpi sge, %sub3A_209, %ge3A : i32
        %convert_element_type3A_349 = arith.extui %ge3A_348 : i1 to i32
        %cond3A_350 = arith.constant 0 : i32
        %cond3A_351 = arith.cmpi ne, %convert_element_type3A_349, %cond3A_350 : i32
        scf.if %cond3A_351 {
          %add3A_367 = arith.addi %mul3A_2, %sub3A_209 : i32
          %dma_wait3A_368 = arith.constant 3 : i32
          %dma_wait3A_369 = arith.constant 3 : i32
          %dma_wait3A_370 = arith.constant 0 : i32
          %dma_wait3A_371 = arith.constant 0 : i32
          %dma_wait3A_372 = tpu.memref_slice %arg6[%dma_wait3A_368, %dma_wait3A_370, %dma_wait3A_371] : memref<4x1x18432xf32, #tpu.memory_space<vmem>> -> memref<1x1x18432xf32, #tpu.memory_space<vmem>>
          %dma_wait3A_373 = tpu.memref_squeeze %dma_wait3A_372 : memref<1x1x18432xf32, #tpu.memory_space<vmem>> -> memref<1x18432xf32, #tpu.memory_space<vmem>>
          %dma_wait3A_374 = arith.constant 0 : i32
          %dma_wait3A_375 = tpu.memref_slice %arg4[%add3A_367, %dma_wait3A_374] : memref<2048x18432xf32, #tpu.memory_space<hbm>> -> memref<1x18432xf32, #tpu.memory_space<hbm>>
          %dma_wait3A_376 = tpu.memref_slice %arg9[%dma_wait3A_369] : memref<4x!tpu.dma_semaphore, #tpu.memory_space<semaphore_mem>> -> memref<1x!tpu.dma_semaphore, #tpu.memory_space<semaphore_mem>>
          %dma_wait3A_377 = tpu.memref_squeeze %dma_wait3A_376 : memref<1x!tpu.dma_semaphore, #tpu.memory_space<semaphore_mem>> -> memref<!tpu.dma_semaphore, #tpu.memory_space<semaphore_mem>>
          %dma_wait3A_378 = arith.constant 0 : i32
          %dma_wait3A_379 = tpu.memref_slice %arg4[%add3A_367, %dma_wait3A_378] : memref<2048x18432xf32, #tpu.memory_space<hbm>> -> memref<1x18432xf32, #tpu.memory_space<hbm>>
          %dma_wait3A_380 = arith.constant 0 : i32
          %dma_wait3A_381 = arith.constant 0 : i32
          %dma_wait3A_382 = tpu.memref_slice %arg6[%dma_wait3A_368, %dma_wait3A_380, %dma_wait3A_381] : memref<4x1x18432xf32, #tpu.memory_space<vmem>> -> memref<1x1x18432xf32, #tpu.memory_space<vmem>>
          %dma_wait3A_383 = tpu.memref_squeeze %dma_wait3A_382 : memref<1x1x18432xf32, #tpu.memory_space<vmem>> -> memref<1x18432xf32, #tpu.memory_space<vmem>>
          tpu.wait_dma2 semaphore(%dma_wait3A_377 : memref<!tpu.dma_semaphore, #tpu.memory_space<semaphore_mem>>) src(%dma_wait3A_383 : memref<1x18432xf32, #tpu.memory_space<vmem>>) dst(%dma_wait3A_379 : memref<1x18432xf32, #tpu.memory_space<hbm>>)
        } else {
        }
        %add3A_352 = arith.addi %mul3A_13, %sub3A_207 : i32
        %dma_start3A_353 = arith.constant 0 : i32
        %dma_start3A_354 = arith.constant 3 : i32
        %dma_start3A_355 = arith.constant 3 : i32
        %dma_start3A_356 = arith.constant 0 : i32
        %dma_start3A_357 = arith.constant 0 : i32
        %dma_start3A_358 = tpu.memref_slice %arg6[%dma_start3A_354, %dma_start3A_356, %dma_start3A_357] : memref<4x1x18432xf32, #tpu.memory_space<vmem>> -> memref<1x1x18432xf32, #tpu.memory_space<vmem>>
        %dma_start3A_359 = tpu.memref_squeeze %dma_start3A_358 : memref<1x1x18432xf32, #tpu.memory_space<vmem>> -> memref<1x18432xf32, #tpu.memory_space<vmem>>
        %dma_start3A_360 = tpu.memref_slice %arg5[%dma_start3A_353, %add3A_352] : memref<1x128xi32, #tpu.memory_space<vmem>> -> memref<1x1xi32, #tpu.memory_space<vmem>>
        %dma_start3A_361 = tpu.memref_squeeze %dma_start3A_360 : memref<1x1xi32, #tpu.memory_space<vmem>> -> memref<1xi32, #tpu.memory_space<vmem>>
        %dma_start3A_362 = arith.constant 0 : i32
        %dma_start3A_363 = arith.constant 0 : i32
        %dma_start3A_364 = tpu.memref_slice %arg2[%dma_start3A_362, %dma_start3A_363] : memref<128x18432xf32, #tpu.memory_space<hbm>> -> memref<128x18432xf32, #tpu.memory_space<hbm>>
        %dma_start3A_365 = tpu.memref_slice %arg8[%dma_start3A_355] : memref<4x!tpu.dma_semaphore, #tpu.memory_space<semaphore_mem>> -> memref<1x!tpu.dma_semaphore, #tpu.memory_space<semaphore_mem>>
        %dma_start3A_366 = tpu.memref_squeeze %dma_start3A_365 : memref<1x!tpu.dma_semaphore, #tpu.memory_space<semaphore_mem>> -> memref<!tpu.dma_semaphore, #tpu.memory_space<semaphore_mem>>
        tpu.enqueue_indirect_dma source(%dma_start3A_364 : memref<128x18432xf32, #tpu.memory_space<hbm>>) target(%dma_start3A_359 : memref<1x18432xf32, #tpu.memory_space<vmem>>) offsets(%dma_start3A_361 : memref<1xi32, #tpu.memory_space<vmem>>) semaphore(%dma_start3A_366 : memref<!tpu.dma_semaphore, #tpu.memory_space<semaphore_mem>>)
      } else {
      }
      %add3A_213 = arith.constant 1 : i32
      %add3A_214 = arith.addi %add3A_169, %add3A_213 : i32
      %add3A_215 = arith.addi %mul3A_13, %add3A_214 : i32
      %dma_wait3A_216 = arith.constant 0 : i32
      %dma_wait3A_217 = arith.constant 1 : i32
      %dma_wait3A_218 = arith.constant 1 : i32
      %dma_wait3A_219 = arith.constant 0 : i32
      %dma_wait3A_220 = arith.constant 0 : i32
      %dma_wait3A_221 = tpu.memref_slice %arg6[%dma_wait3A_217, %dma_wait3A_219, %dma_wait3A_220] : memref<4x1x18432xf32, #tpu.memory_space<vmem>> -> memref<1x1x18432xf32, #tpu.memory_space<vmem>>
      %dma_wait3A_222 = tpu.memref_squeeze %dma_wait3A_221 : memref<1x1x18432xf32, #tpu.memory_space<vmem>> -> memref<1x18432xf32, #tpu.memory_space<vmem>>
      %dma_wait3A_223 = tpu.memref_slice %arg5[%dma_wait3A_216, %add3A_215] : memref<1x128xi32, #tpu.memory_space<vmem>> -> memref<1x1xi32, #tpu.memory_space<vmem>>
      %dma_wait3A_224 = tpu.memref_squeeze %dma_wait3A_223 : memref<1x1xi32, #tpu.memory_space<vmem>> -> memref<1xi32, #tpu.memory_space<vmem>>
      %dma_wait3A_225 = arith.constant 0 : i32
      %dma_wait3A_226 = arith.constant 0 : i32
      %dma_wait3A_227 = tpu.memref_slice %arg2[%dma_wait3A_225, %dma_wait3A_226] : memref<128x18432xf32, #tpu.memory_space<hbm>> -> memref<128x18432xf32, #tpu.memory_space<hbm>>
      %dma_wait3A_228 = tpu.memref_slice %arg8[%dma_wait3A_218] : memref<4x!tpu.dma_semaphore, #tpu.memory_space<semaphore_mem>> -> memref<1x!tpu.dma_semaphore, #tpu.memory_space<semaphore_mem>>
      %dma_wait3A_229 = tpu.memref_squeeze %dma_wait3A_228 : memref<1x!tpu.dma_semaphore, #tpu.memory_space<semaphore_mem>> -> memref<!tpu.dma_semaphore, #tpu.memory_space<semaphore_mem>>
      tpu.wait_indirect_dma semaphore(%dma_wait3A_229 : memref<!tpu.dma_semaphore, #tpu.memory_space<semaphore_mem>>) src(%dma_wait3A_227 : memref<128x18432xf32, #tpu.memory_space<hbm>>) dst(%dma_wait3A_222 : memref<1x18432xf32, #tpu.memory_space<vmem>>)
      %add3A_230 = arith.addi %mul3A_2, %add3A_214 : i32
      %dma_start3A_231 = arith.constant 1 : i32
      %dma_start3A_232 = arith.constant 1 : i32
      %dma_start3A_233 = arith.constant 0 : i32
      %dma_start3A_234 = arith.constant 0 : i32
      %dma_start3A_235 = tpu.memref_slice %arg6[%dma_start3A_231, %dma_start3A_233, %dma_start3A_234] : memref<4x1x18432xf32, #tpu.memory_space<vmem>> -> memref<1x1x18432xf32, #tpu.memory_space<vmem>>
      %dma_start3A_236 = tpu.memref_squeeze %dma_start3A_235 : memref<1x1x18432xf32, #tpu.memory_space<vmem>> -> memref<1x18432xf32, #tpu.memory_space<vmem>>
      %dma_start3A_237 = arith.constant 0 : i32
      %dma_start3A_238 = tpu.memref_slice %arg4[%add3A_230, %dma_start3A_237] : memref<2048x18432xf32, #tpu.memory_space<hbm>> -> memref<1x18432xf32, #tpu.memory_space<hbm>>
      %dma_start3A_239 = tpu.memref_slice %arg9[%dma_start3A_232] : memref<4x!tpu.dma_semaphore, #tpu.memory_space<semaphore_mem>> -> memref<1x!tpu.dma_semaphore, #tpu.memory_space<semaphore_mem>>
      %dma_start3A_240 = tpu.memref_squeeze %dma_start3A_239 : memref<1x!tpu.dma_semaphore, #tpu.memory_space<semaphore_mem>> -> memref<!tpu.dma_semaphore, #tpu.memory_space<semaphore_mem>>
      %dma_start3A_241 = arith.constant 0 : i32
      %dma_start3A_242 = tpu.memref_slice %arg4[%add3A_230, %dma_start3A_241] : memref<2048x18432xf32, #tpu.memory_space<hbm>> -> memref<1x18432xf32, #tpu.memory_space<hbm>>
      %dma_start3A_243 = arith.constant 0 : i32
      %dma_start3A_244 = arith.constant 0 : i32
      %dma_start3A_245 = tpu.memref_slice %arg6[%dma_start3A_231, %dma_start3A_243, %dma_start3A_244] : memref<4x1x18432xf32, #tpu.memory_space<vmem>> -> memref<1x1x18432xf32, #tpu.memory_space<vmem>>
      %dma_start3A_246 = tpu.memref_squeeze %dma_start3A_245 : memref<1x1x18432xf32, #tpu.memory_space<vmem>> -> memref<1x18432xf32, #tpu.memory_space<vmem>>
      tpu.enqueue_dma source(%dma_start3A_246 : memref<1x18432xf32, #tpu.memory_space<vmem>>) target(%dma_start3A_242 : memref<1x18432xf32, #tpu.memory_space<hbm>>) target_semaphore(%dma_start3A_240 : memref<!tpu.dma_semaphore, #tpu.memory_space<semaphore_mem>>)
      %add3A_247 = arith.constant 4 : i32
      %add3A_248 = arith.addi %add3A_214, %add3A_247 : i32
      %sub3A_249 = arith.constant 1 : i32
      %sub3A_250 = arith.subi %add3A_248, %sub3A_249 : i32
      %sub3A_251 = arith.constant 1 : i32
      %sub3A_252 = arith.subi %add3A_214, %sub3A_251 : i32
      %lt3A_253 = arith.constant 64 : i32
      %lt3A_254 = arith.cmpi slt, %sub3A_250, %lt3A_253 : i32
      %convert_element_type3A_255 = arith.extui %lt3A_254 : i1 to i32
      %cond3A_256 = arith.constant 0 : i32
      %cond3A_257 = arith.cmpi ne, %convert_element_type3A_255, %cond3A_256 : i32
      scf.if %cond3A_257 {
        %ge3A = arith.constant 0 : i32
        %ge3A_348 = arith.cmpi sge, %sub3A_252, %ge3A : i32
        %convert_element_type3A_349 = arith.extui %ge3A_348 : i1 to i32
        %cond3A_350 = arith.constant 0 : i32
        %cond3A_351 = arith.cmpi ne, %convert_element_type3A_349, %cond3A_350 : i32
        scf.if %cond3A_351 {
          %add3A_367 = arith.addi %mul3A_2, %sub3A_252 : i32
          %dma_wait3A_368 = arith.constant 0 : i32
          %dma_wait3A_369 = arith.constant 0 : i32
          %dma_wait3A_370 = arith.constant 0 : i32
          %dma_wait3A_371 = arith.constant 0 : i32
          %dma_wait3A_372 = tpu.memref_slice %arg6[%dma_wait3A_368, %dma_wait3A_370, %dma_wait3A_371] : memref<4x1x18432xf32, #tpu.memory_space<vmem>> -> memref<1x1x18432xf32, #tpu.memory_space<vmem>>
          %dma_wait3A_373 = tpu.memref_squeeze %dma_wait3A_372 : memref<1x1x18432xf32, #tpu.memory_space<vmem>> -> memref<1x18432xf32, #tpu.memory_space<vmem>>
          %dma_wait3A_374 = arith.constant 0 : i32
          %dma_wait3A_375 = tpu.memref_slice %arg4[%add3A_367, %dma_wait3A_374] : memref<2048x18432xf32, #tpu.memory_space<hbm>> -> memref<1x18432xf32, #tpu.memory_space<hbm>>
          %dma_wait3A_376 = tpu.memref_slice %arg9[%dma_wait3A_369] : memref<4x!tpu.dma_semaphore, #tpu.memory_space<semaphore_mem>> -> memref<1x!tpu.dma_semaphore, #tpu.memory_space<semaphore_mem>>
          %dma_wait3A_377 = tpu.memref_squeeze %dma_wait3A_376 : memref<1x!tpu.dma_semaphore, #tpu.memory_space<semaphore_mem>> -> memref<!tpu.dma_semaphore, #tpu.memory_space<semaphore_mem>>
          %dma_wait3A_378 = arith.constant 0 : i32
          %dma_wait3A_379 = tpu.memref_slice %arg4[%add3A_367, %dma_wait3A_378] : memref<2048x18432xf32, #tpu.memory_space<hbm>> -> memref<1x18432xf32, #tpu.memory_space<hbm>>
          %dma_wait3A_380 = arith.constant 0 : i32
          %dma_wait3A_381 = arith.constant 0 : i32
          %dma_wait3A_382 = tpu.memref_slice %arg6[%dma_wait3A_368, %dma_wait3A_380, %dma_wait3A_381] : memref<4x1x18432xf32, #tpu.memory_space<vmem>> -> memref<1x1x18432xf32, #tpu.memory_space<vmem>>
          %dma_wait3A_383 = tpu.memref_squeeze %dma_wait3A_382 : memref<1x1x18432xf32, #tpu.memory_space<vmem>> -> memref<1x18432xf32, #tpu.memory_space<vmem>>
          tpu.wait_dma2 semaphore(%dma_wait3A_377 : memref<!tpu.dma_semaphore, #tpu.memory_space<semaphore_mem>>) src(%dma_wait3A_383 : memref<1x18432xf32, #tpu.memory_space<vmem>>) dst(%dma_wait3A_379 : memref<1x18432xf32, #tpu.memory_space<hbm>>)
        } else {
        }
        %add3A_352 = arith.addi %mul3A_13, %sub3A_250 : i32
        %dma_start3A_353 = arith.constant 0 : i32
        %dma_start3A_354 = arith.constant 0 : i32
        %dma_start3A_355 = arith.constant 0 : i32
        %dma_start3A_356 = arith.constant 0 : i32
        %dma_start3A_357 = arith.constant 0 : i32
        %dma_start3A_358 = tpu.memref_slice %arg6[%dma_start3A_354, %dma_start3A_356, %dma_start3A_357] : memref<4x1x18432xf32, #tpu.memory_space<vmem>> -> memref<1x1x18432xf32, #tpu.memory_space<vmem>>
        %dma_start3A_359 = tpu.memref_squeeze %dma_start3A_358 : memref<1x1x18432xf32, #tpu.memory_space<vmem>> -> memref<1x18432xf32, #tpu.memory_space<vmem>>
        %dma_start3A_360 = tpu.memref_slice %arg5[%dma_start3A_353, %add3A_352] : memref<1x128xi32, #tpu.memory_space<vmem>> -> memref<1x1xi32, #tpu.memory_space<vmem>>
        %dma_start3A_361 = tpu.memref_squeeze %dma_start3A_360 : memref<1x1xi32, #tpu.memory_space<vmem>> -> memref<1xi32, #tpu.memory_space<vmem>>
        %dma_start3A_362 = arith.constant 0 : i32
        %dma_start3A_363 = arith.constant 0 : i32
        %dma_start3A_364 = tpu.memref_slice %arg2[%dma_start3A_362, %dma_start3A_363] : memref<128x18432xf32, #tpu.memory_space<hbm>> -> memref<128x18432xf32, #tpu.memory_space<hbm>>
        %dma_start3A_365 = tpu.memref_slice %arg8[%dma_start3A_355] : memref<4x!tpu.dma_semaphore, #tpu.memory_space<semaphore_mem>> -> memref<1x!tpu.dma_semaphore, #tpu.memory_space<semaphore_mem>>
        %dma_start3A_366 = tpu.memref_squeeze %dma_start3A_365 : memref<1x!tpu.dma_semaphore, #tpu.memory_space<semaphore_mem>> -> memref<!tpu.dma_semaphore, #tpu.memory_space<semaphore_mem>>
        tpu.enqueue_indirect_dma source(%dma_start3A_364 : memref<128x18432xf32, #tpu.memory_space<hbm>>) target(%dma_start3A_359 : memref<1x18432xf32, #tpu.memory_space<vmem>>) offsets(%dma_start3A_361 : memref<1xi32, #tpu.memory_space<vmem>>) semaphore(%dma_start3A_366 : memref<!tpu.dma_semaphore, #tpu.memory_space<semaphore_mem>>)
      } else {
      }
      %add3A_258 = arith.constant 2 : i32
      %add3A_259 = arith.addi %add3A_169, %add3A_258 : i32
      %add3A_260 = arith.addi %mul3A_13, %add3A_259 : i32
      %dma_wait3A_261 = arith.constant 0 : i32
      %dma_wait3A_262 = arith.constant 2 : i32
      %dma_wait3A_263 = arith.constant 2 : i32
      %dma_wait3A_264 = arith.constant 0 : i32
      %dma_wait3A_265 = arith.constant 0 : i32
      %dma_wait3A_266 = tpu.memref_slice %arg6[%dma_wait3A_262, %dma_wait3A_264, %dma_wait3A_265] : memref<4x1x18432xf32, #tpu.memory_space<vmem>> -> memref<1x1x18432xf32, #tpu.memory_space<vmem>>
      %dma_wait3A_267 = tpu.memref_squeeze %dma_wait3A_266 : memref<1x1x18432xf32, #tpu.memory_space<vmem>> -> memref<1x18432xf32, #tpu.memory_space<vmem>>
      %dma_wait3A_268 = tpu.memref_slice %arg5[%dma_wait3A_261, %add3A_260] : memref<1x128xi32, #tpu.memory_space<vmem>> -> memref<1x1xi32, #tpu.memory_space<vmem>>
      %dma_wait3A_269 = tpu.memref_squeeze %dma_wait3A_268 : memref<1x1xi32, #tpu.memory_space<vmem>> -> memref<1xi32, #tpu.memory_space<vmem>>
      %dma_wait3A_270 = arith.constant 0 : i32
      %dma_wait3A_271 = arith.constant 0 : i32
      %dma_wait3A_272 = tpu.memref_slice %arg2[%dma_wait3A_270, %dma_wait3A_271] : memref<128x18432xf32, #tpu.memory_space<hbm>> -> memref<128x18432xf32, #tpu.memory_space<hbm>>
      %dma_wait3A_273 = tpu.memref_slice %arg8[%dma_wait3A_263] : memref<4x!tpu.dma_semaphore, #tpu.memory_space<semaphore_mem>> -> memref<1x!tpu.dma_semaphore, #tpu.memory_space<semaphore_mem>>
      %dma_wait3A_274 = tpu.memref_squeeze %dma_wait3A_273 : memref<1x!tpu.dma_semaphore, #tpu.memory_space<semaphore_mem>> -> memref<!tpu.dma_semaphore, #tpu.memory_space<semaphore_mem>>
      tpu.wait_indirect_dma semaphore(%dma_wait3A_274 : memref<!tpu.dma_semaphore, #tpu.memory_space<semaphore_mem>>) src(%dma_wait3A_272 : memref<128x18432xf32, #tpu.memory_space<hbm>>) dst(%dma_wait3A_267 : memref<1x18432xf32, #tpu.memory_space<vmem>>)
      %add3A_275 = arith.addi %mul3A_2, %add3A_259 : i32
      %dma_start3A_276 = arith.constant 2 : i32
      %dma_start3A_277 = arith.constant 2 : i32
      %dma_start3A_278 = arith.constant 0 : i32
      %dma_start3A_279 = arith.constant 0 : i32
      %dma_start3A_280 = tpu.memref_slice %arg6[%dma_start3A_276, %dma_start3A_278, %dma_start3A_279] : memref<4x1x18432xf32, #tpu.memory_space<vmem>> -> memref<1x1x18432xf32, #tpu.memory_space<vmem>>
      %dma_start3A_281 = tpu.memref_squeeze %dma_start3A_280 : memref<1x1x18432xf32, #tpu.memory_space<vmem>> -> memref<1x18432xf32, #tpu.memory_space<vmem>>
      %dma_start3A_282 = arith.constant 0 : i32
      %dma_start3A_283 = tpu.memref_slice %arg4[%add3A_275, %dma_start3A_282] : memref<2048x18432xf32, #tpu.memory_space<hbm>> -> memref<1x18432xf32, #tpu.memory_space<hbm>>
      %dma_start3A_284 = tpu.memref_slice %arg9[%dma_start3A_277] : memref<4x!tpu.dma_semaphore, #tpu.memory_space<semaphore_mem>> -> memref<1x!tpu.dma_semaphore, #tpu.memory_space<semaphore_mem>>
      %dma_start3A_285 = tpu.memref_squeeze %dma_start3A_284 : memref<1x!tpu.dma_semaphore, #tpu.memory_space<semaphore_mem>> -> memref<!tpu.dma_semaphore, #tpu.memory_space<semaphore_mem>>
      %dma_start3A_286 = arith.constant 0 : i32
      %dma_start3A_287 = tpu.memref_slice %arg4[%add3A_275, %dma_start3A_286] : memref<2048x18432xf32, #tpu.memory_space<hbm>> -> memref<1x18432xf32, #tpu.memory_space<hbm>>
      %dma_start3A_288 = arith.constant 0 : i32
      %dma_start3A_289 = arith.constant 0 : i32
      %dma_start3A_290 = tpu.memref_slice %arg6[%dma_start3A_276, %dma_start3A_288, %dma_start3A_289] : memref<4x1x18432xf32, #tpu.memory_space<vmem>> -> memref<1x1x18432xf32, #tpu.memory_space<vmem>>
      %dma_start3A_291 = tpu.memref_squeeze %dma_start3A_290 : memref<1x1x18432xf32, #tpu.memory_space<vmem>> -> memref<1x18432xf32, #tpu.memory_space<vmem>>
      tpu.enqueue_dma source(%dma_start3A_291 : memref<1x18432xf32, #tpu.memory_space<vmem>>) target(%dma_start3A_287 : memref<1x18432xf32, #tpu.memory_space<hbm>>) target_semaphore(%dma_start3A_285 : memref<!tpu.dma_semaphore, #tpu.memory_space<semaphore_mem>>)
      %add3A_292 = arith.constant 4 : i32
      %add3A_293 = arith.addi %add3A_259, %add3A_292 : i32
      %sub3A_294 = arith.constant 1 : i32
      %sub3A_295 = arith.subi %add3A_293, %sub3A_294 : i32
      %sub3A_296 = arith.constant 1 : i32
      %sub3A_297 = arith.subi %add3A_259, %sub3A_296 : i32
      %lt3A_298 = arith.constant 64 : i32
      %lt3A_299 = arith.cmpi slt, %sub3A_295, %lt3A_298 : i32
      %convert_element_type3A_300 = arith.extui %lt3A_299 : i1 to i32
      %cond3A_301 = arith.constant 0 : i32
      %cond3A_302 = arith.cmpi ne, %convert_element_type3A_300, %cond3A_301 : i32
      scf.if %cond3A_302 {
        %ge3A = arith.constant 0 : i32
        %ge3A_348 = arith.cmpi sge, %sub3A_297, %ge3A : i32
        %convert_element_type3A_349 = arith.extui %ge3A_348 : i1 to i32
        %cond3A_350 = arith.constant 0 : i32
        %cond3A_351 = arith.cmpi ne, %convert_element_type3A_349, %cond3A_350 : i32
        scf.if %cond3A_351 {
          %add3A_367 = arith.addi %mul3A_2, %sub3A_297 : i32
          %dma_wait3A_368 = arith.constant 1 : i32
          %dma_wait3A_369 = arith.constant 1 : i32
          %dma_wait3A_370 = arith.constant 0 : i32
          %dma_wait3A_371 = arith.constant 0 : i32
          %dma_wait3A_372 = tpu.memref_slice %arg6[%dma_wait3A_368, %dma_wait3A_370, %dma_wait3A_371] : memref<4x1x18432xf32, #tpu.memory_space<vmem>> -> memref<1x1x18432xf32, #tpu.memory_space<vmem>>
          %dma_wait3A_373 = tpu.memref_squeeze %dma_wait3A_372 : memref<1x1x18432xf32, #tpu.memory_space<vmem>> -> memref<1x18432xf32, #tpu.memory_space<vmem>>
          %dma_wait3A_374 = arith.constant 0 : i32
          %dma_wait3A_375 = tpu.memref_slice %arg4[%add3A_367, %dma_wait3A_374] : memref<2048x18432xf32, #tpu.memory_space<hbm>> -> memref<1x18432xf32, #tpu.memory_space<hbm>>
          %dma_wait3A_376 = tpu.memref_slice %arg9[%dma_wait3A_369] : memref<4x!tpu.dma_semaphore, #tpu.memory_space<semaphore_mem>> -> memref<1x!tpu.dma_semaphore, #tpu.memory_space<semaphore_mem>>
          %dma_wait3A_377 = tpu.memref_squeeze %dma_wait3A_376 : memref<1x!tpu.dma_semaphore, #tpu.memory_space<semaphore_mem>> -> memref<!tpu.dma_semaphore, #tpu.memory_space<semaphore_mem>>
          %dma_wait3A_378 = arith.constant 0 : i32
          %dma_wait3A_379 = tpu.memref_slice %arg4[%add3A_367, %dma_wait3A_378] : memref<2048x18432xf32, #tpu.memory_space<hbm>> -> memref<1x18432xf32, #tpu.memory_space<hbm>>
          %dma_wait3A_380 = arith.constant 0 : i32
          %dma_wait3A_381 = arith.constant 0 : i32
          %dma_wait3A_382 = tpu.memref_slice %arg6[%dma_wait3A_368, %dma_wait3A_380, %dma_wait3A_381] : memref<4x1x18432xf32, #tpu.memory_space<vmem>> -> memref<1x1x18432xf32, #tpu.memory_space<vmem>>
          %dma_wait3A_383 = tpu.memref_squeeze %dma_wait3A_382 : memref<1x1x18432xf32, #tpu.memory_space<vmem>> -> memref<1x18432xf32, #tpu.memory_space<vmem>>
          tpu.wait_dma2 semaphore(%dma_wait3A_377 : memref<!tpu.dma_semaphore, #tpu.memory_space<semaphore_mem>>) src(%dma_wait3A_383 : memref<1x18432xf32, #tpu.memory_space<vmem>>) dst(%dma_wait3A_379 : memref<1x18432xf32, #tpu.memory_space<hbm>>)
        } else {
        }
        %add3A_352 = arith.addi %mul3A_13, %sub3A_295 : i32
        %dma_start3A_353 = arith.constant 0 : i32
        %dma_start3A_354 = arith.constant 1 : i32
        %dma_start3A_355 = arith.constant 1 : i32
        %dma_start3A_356 = arith.constant 0 : i32
        %dma_start3A_357 = arith.constant 0 : i32
        %dma_start3A_358 = tpu.memref_slice %arg6[%dma_start3A_354, %dma_start3A_356, %dma_start3A_357] : memref<4x1x18432xf32, #tpu.memory_space<vmem>> -> memref<1x1x18432xf32, #tpu.memory_space<vmem>>
        %dma_start3A_359 = tpu.memref_squeeze %dma_start3A_358 : memref<1x1x18432xf32, #tpu.memory_space<vmem>> -> memref<1x18432xf32, #tpu.memory_space<vmem>>
        %dma_start3A_360 = tpu.memref_slice %arg5[%dma_start3A_353, %add3A_352] : memref<1x128xi32, #tpu.memory_space<vmem>> -> memref<1x1xi32, #tpu.memory_space<vmem>>
        %dma_start3A_361 = tpu.memref_squeeze %dma_start3A_360 : memref<1x1xi32, #tpu.memory_space<vmem>> -> memref<1xi32, #tpu.memory_space<vmem>>
        %dma_start3A_362 = arith.constant 0 : i32
        %dma_start3A_363 = arith.constant 0 : i32
        %dma_start3A_364 = tpu.memref_slice %arg2[%dma_start3A_362, %dma_start3A_363] : memref<128x18432xf32, #tpu.memory_space<hbm>> -> memref<128x18432xf32, #tpu.memory_space<hbm>>
        %dma_start3A_365 = tpu.memref_slice %arg8[%dma_start3A_355] : memref<4x!tpu.dma_semaphore, #tpu.memory_space<semaphore_mem>> -> memref<1x!tpu.dma_semaphore, #tpu.memory_space<semaphore_mem>>
        %dma_start3A_366 = tpu.memref_squeeze %dma_start3A_365 : memref<1x!tpu.dma_semaphore, #tpu.memory_space<semaphore_mem>> -> memref<!tpu.dma_semaphore, #tpu.memory_space<semaphore_mem>>
        tpu.enqueue_indirect_dma source(%dma_start3A_364 : memref<128x18432xf32, #tpu.memory_space<hbm>>) target(%dma_start3A_359 : memref<1x18432xf32, #tpu.memory_space<vmem>>) offsets(%dma_start3A_361 : memref<1xi32, #tpu.memory_space<vmem>>) semaphore(%dma_start3A_366 : memref<!tpu.dma_semaphore, #tpu.memory_space<semaphore_mem>>)
      } else {
      }
      %add3A_303 = arith.constant 3 : i32
      %add3A_304 = arith.addi %add3A_169, %add3A_303 : i32
      %add3A_305 = arith.addi %mul3A_13, %add3A_304 : i32
      %dma_wait3A_306 = arith.constant 0 : i32
      %dma_wait3A_307 = arith.constant 3 : i32
      %dma_wait3A_308 = arith.constant 3 : i32
      %dma_wait3A_309 = arith.constant 0 : i32
      %dma_wait3A_310 = arith.constant 0 : i32
      %dma_wait3A_311 = tpu.memref_slice %arg6[%dma_wait3A_307, %dma_wait3A_309, %dma_wait3A_310] : memref<4x1x18432xf32, #tpu.memory_space<vmem>> -> memref<1x1x18432xf32, #tpu.memory_space<vmem>>
      %dma_wait3A_312 = tpu.memref_squeeze %dma_wait3A_311 : memref<1x1x18432xf32, #tpu.memory_space<vmem>> -> memref<1x18432xf32, #tpu.memory_space<vmem>>
      %dma_wait3A_313 = tpu.memref_slice %arg5[%dma_wait3A_306, %add3A_305] : memref<1x128xi32, #tpu.memory_space<vmem>> -> memref<1x1xi32, #tpu.memory_space<vmem>>
      %dma_wait3A_314 = tpu.memref_squeeze %dma_wait3A_313 : memref<1x1xi32, #tpu.memory_space<vmem>> -> memref<1xi32, #tpu.memory_space<vmem>>
      %dma_wait3A_315 = arith.constant 0 : i32
      %dma_wait3A_316 = arith.constant 0 : i32
      %dma_wait3A_317 = tpu.memref_slice %arg2[%dma_wait3A_315, %dma_wait3A_316] : memref<128x18432xf32, #tpu.memory_space<hbm>> -> memref<128x18432xf32, #tpu.memory_space<hbm>>
      %dma_wait3A_318 = tpu.memref_slice %arg8[%dma_wait3A_308] : memref<4x!tpu.dma_semaphore, #tpu.memory_space<semaphore_mem>> -> memref<1x!tpu.dma_semaphore, #tpu.memory_space<semaphore_mem>>
      %dma_wait3A_319 = tpu.memref_squeeze %dma_wait3A_318 : memref<1x!tpu.dma_semaphore, #tpu.memory_space<semaphore_mem>> -> memref<!tpu.dma_semaphore, #tpu.memory_space<semaphore_mem>>
      tpu.wait_indirect_dma semaphore(%dma_wait3A_319 : memref<!tpu.dma_semaphore, #tpu.memory_space<semaphore_mem>>) src(%dma_wait3A_317 : memref<128x18432xf32, #tpu.memory_space<hbm>>) dst(%dma_wait3A_312 : memref<1x18432xf32, #tpu.memory_space<vmem>>)
      %add3A_320 = arith.addi %mul3A_2, %add3A_304 : i32
      %dma_start3A_321 = arith.constant 3 : i32
      %dma_start3A_322 = arith.constant 3 : i32
      %dma_start3A_323 = arith.constant 0 : i32
      %dma_start3A_324 = arith.constant 0 : i32
      %dma_start3A_325 = tpu.memref_slice %arg6[%dma_start3A_321, %dma_start3A_323, %dma_start3A_324] : memref<4x1x18432xf32, #tpu.memory_space<vmem>> -> memref<1x1x18432xf32, #tpu.memory_space<vmem>>
      %dma_start3A_326 = tpu.memref_squeeze %dma_start3A_325 : memref<1x1x18432xf32, #tpu.memory_space<vmem>> -> memref<1x18432xf32, #tpu.memory_space<vmem>>
      %dma_start3A_327 = arith.constant 0 : i32
      %dma_start3A_328 = tpu.memref_slice %arg4[%add3A_320, %dma_start3A_327] : memref<2048x18432xf32, #tpu.memory_space<hbm>> -> memref<1x18432xf32, #tpu.memory_space<hbm>>
      %dma_start3A_329 = tpu.memref_slice %arg9[%dma_start3A_322] : memref<4x!tpu.dma_semaphore, #tpu.memory_space<semaphore_mem>> -> memref<1x!tpu.dma_semaphore, #tpu.memory_space<semaphore_mem>>
      %dma_start3A_330 = tpu.memref_squeeze %dma_start3A_329 : memref<1x!tpu.dma_semaphore, #tpu.memory_space<semaphore_mem>> -> memref<!tpu.dma_semaphore, #tpu.memory_space<semaphore_mem>>
      %dma_start3A_331 = arith.constant 0 : i32
      %dma_start3A_332 = tpu.memref_slice %arg4[%add3A_320, %dma_start3A_331] : memref<2048x18432xf32, #tpu.memory_space<hbm>> -> memref<1x18432xf32, #tpu.memory_space<hbm>>
      %dma_start3A_333 = arith.constant 0 : i32
      %dma_start3A_334 = arith.constant 0 : i32
      %dma_start3A_335 = tpu.memref_slice %arg6[%dma_start3A_321, %dma_start3A_333, %dma_start3A_334] : memref<4x1x18432xf32, #tpu.memory_space<vmem>> -> memref<1x1x18432xf32, #tpu.memory_space<vmem>>
      %dma_start3A_336 = tpu.memref_squeeze %dma_start3A_335 : memref<1x1x18432xf32, #tpu.memory_space<vmem>> -> memref<1x18432xf32, #tpu.memory_space<vmem>>
      tpu.enqueue_dma source(%dma_start3A_336 : memref<1x18432xf32, #tpu.memory_space<vmem>>) target(%dma_start3A_332 : memref<1x18432xf32, #tpu.memory_space<hbm>>) target_semaphore(%dma_start3A_330 : memref<!tpu.dma_semaphore, #tpu.memory_space<semaphore_mem>>)
      %add3A_337 = arith.constant 4 : i32
      %add3A_338 = arith.addi %add3A_304, %add3A_337 : i32
      %sub3A_339 = arith.constant 1 : i32
      %sub3A_340 = arith.subi %add3A_338, %sub3A_339 : i32
      %sub3A_341 = arith.constant 1 : i32
      %sub3A_342 = arith.subi %add3A_304, %sub3A_341 : i32
      %lt3A_343 = arith.constant 64 : i32
      %lt3A_344 = arith.cmpi slt, %sub3A_340, %lt3A_343 : i32
      %convert_element_type3A_345 = arith.extui %lt3A_344 : i1 to i32
      %cond3A_346 = arith.constant 0 : i32
      %cond3A_347 = arith.cmpi ne, %convert_element_type3A_345, %cond3A_346 : i32
      scf.if %cond3A_347 {
        %ge3A = arith.constant 0 : i32
        %ge3A_348 = arith.cmpi sge, %sub3A_342, %ge3A : i32
        %convert_element_type3A_349 = arith.extui %ge3A_348 : i1 to i32
        %cond3A_350 = arith.constant 0 : i32
        %cond3A_351 = arith.cmpi ne, %convert_element_type3A_349, %cond3A_350 : i32
        scf.if %cond3A_351 {
          %add3A_367 = arith.addi %mul3A_2, %sub3A_342 : i32
          %dma_wait3A_368 = arith.constant 2 : i32
          %dma_wait3A_369 = arith.constant 2 : i32
          %dma_wait3A_370 = arith.constant 0 : i32
          %dma_wait3A_371 = arith.constant 0 : i32
          %dma_wait3A_372 = tpu.memref_slice %arg6[%dma_wait3A_368, %dma_wait3A_370, %dma_wait3A_371] : memref<4x1x18432xf32, #tpu.memory_space<vmem>> -> memref<1x1x18432xf32, #tpu.memory_space<vmem>>
          %dma_wait3A_373 = tpu.memref_squeeze %dma_wait3A_372 : memref<1x1x18432xf32, #tpu.memory_space<vmem>> -> memref<1x18432xf32, #tpu.memory_space<vmem>>
          %dma_wait3A_374 = arith.constant 0 : i32
          %dma_wait3A_375 = tpu.memref_slice %arg4[%add3A_367, %dma_wait3A_374] : memref<2048x18432xf32, #tpu.memory_space<hbm>> -> memref<1x18432xf32, #tpu.memory_space<hbm>>
          %dma_wait3A_376 = tpu.memref_slice %arg9[%dma_wait3A_369] : memref<4x!tpu.dma_semaphore, #tpu.memory_space<semaphore_mem>> -> memref<1x!tpu.dma_semaphore, #tpu.memory_space<semaphore_mem>>
          %dma_wait3A_377 = tpu.memref_squeeze %dma_wait3A_376 : memref<1x!tpu.dma_semaphore, #tpu.memory_space<semaphore_mem>> -> memref<!tpu.dma_semaphore, #tpu.memory_space<semaphore_mem>>
          %dma_wait3A_378 = arith.constant 0 : i32
          %dma_wait3A_379 = tpu.memref_slice %arg4[%add3A_367, %dma_wait3A_378] : memref<2048x18432xf32, #tpu.memory_space<hbm>> -> memref<1x18432xf32, #tpu.memory_space<hbm>>
          %dma_wait3A_380 = arith.constant 0 : i32
          %dma_wait3A_381 = arith.constant 0 : i32
          %dma_wait3A_382 = tpu.memref_slice %arg6[%dma_wait3A_368, %dma_wait3A_380, %dma_wait3A_381] : memref<4x1x18432xf32, #tpu.memory_space<vmem>> -> memref<1x1x18432xf32, #tpu.memory_space<vmem>>
          %dma_wait3A_383 = tpu.memref_squeeze %dma_wait3A_382 : memref<1x1x18432xf32, #tpu.memory_space<vmem>> -> memref<1x18432xf32, #tpu.memory_space<vmem>>
          tpu.wait_dma2 semaphore(%dma_wait3A_377 : memref<!tpu.dma_semaphore, #tpu.memory_space<semaphore_mem>>) src(%dma_wait3A_383 : memref<1x18432xf32, #tpu.memory_space<vmem>>) dst(%dma_wait3A_379 : memref<1x18432xf32, #tpu.memory_space<hbm>>)
        } else {
        }
        %add3A_352 = arith.addi %mul3A_13, %sub3A_340 : i32
        %dma_start3A_353 = arith.constant 0 : i32
        %dma_start3A_354 = arith.constant 2 : i32
        %dma_start3A_355 = arith.constant 2 : i32
        %dma_start3A_356 = arith.constant 0 : i32
        %dma_start3A_357 = arith.constant 0 : i32
        %dma_start3A_358 = tpu.memref_slice %arg6[%dma_start3A_354, %dma_start3A_356, %dma_start3A_357] : memref<4x1x18432xf32, #tpu.memory_space<vmem>> -> memref<1x1x18432xf32, #tpu.memory_space<vmem>>
        %dma_start3A_359 = tpu.memref_squeeze %dma_start3A_358 : memref<1x1x18432xf32, #tpu.memory_space<vmem>> -> memref<1x18432xf32, #tpu.memory_space<vmem>>
        %dma_start3A_360 = tpu.memref_slice %arg5[%dma_start3A_353, %add3A_352] : memref<1x128xi32, #tpu.memory_space<vmem>> -> memref<1x1xi32, #tpu.memory_space<vmem>>
        %dma_start3A_361 = tpu.memref_squeeze %dma_start3A_360 : memref<1x1xi32, #tpu.memory_space<vmem>> -> memref<1xi32, #tpu.memory_space<vmem>>
        %dma_start3A_362 = arith.constant 0 : i32
        %dma_start3A_363 = arith.constant 0 : i32
        %dma_start3A_364 = tpu.memref_slice %arg2[%dma_start3A_362, %dma_start3A_363] : memref<128x18432xf32, #tpu.memory_space<hbm>> -> memref<128x18432xf32, #tpu.memory_space<hbm>>
        %dma_start3A_365 = tpu.memref_slice %arg8[%dma_start3A_355] : memref<4x!tpu.dma_semaphore, #tpu.memory_space<semaphore_mem>> -> memref<1x!tpu.dma_semaphore, #tpu.memory_space<semaphore_mem>>
        %dma_start3A_366 = tpu.memref_squeeze %dma_start3A_365 : memref<1x!tpu.dma_semaphore, #tpu.memory_space<semaphore_mem>> -> memref<!tpu.dma_semaphore, #tpu.memory_space<semaphore_mem>>
        tpu.enqueue_indirect_dma source(%dma_start3A_364 : memref<128x18432xf32, #tpu.memory_space<hbm>>) target(%dma_start3A_359 : memref<1x18432xf32, #tpu.memory_space<vmem>>) offsets(%dma_start3A_361 : memref<1xi32, #tpu.memory_space<vmem>>) semaphore(%dma_start3A_366 : memref<!tpu.dma_semaphore, #tpu.memory_space<semaphore_mem>>)
      } else {
      }
    }
    %scan3A_92 = arith.constant 16 : i32
    %add3A_93 = arith.constant 60 : i32
    %add3A_94 = arith.addi %mul3A_2, %add3A_93 : i32
    %dma_wait3A_95 = arith.constant 0 : i32
    %dma_wait3A_96 = arith.constant 0 : i32
    %dma_wait3A_97 = arith.constant 0 : i32
    %dma_wait3A_98 = arith.constant 0 : i32
    %dma_wait3A_99 = tpu.memref_slice %arg6[%dma_wait3A_95, %dma_wait3A_97, %dma_wait3A_98] : memref<4x1x18432xf32, #tpu.memory_space<vmem>> -> memref<1x1x18432xf32, #tpu.memory_space<vmem>>
    %dma_wait3A_100 = tpu.memref_squeeze %dma_wait3A_99 : memref<1x1x18432xf32, #tpu.memory_space<vmem>> -> memref<1x18432xf32, #tpu.memory_space<vmem>>
    %dma_wait3A_101 = arith.constant 0 : i32
    %dma_wait3A_102 = tpu.memref_slice %arg4[%add3A_94, %dma_wait3A_101] : memref<2048x18432xf32, #tpu.memory_space<hbm>> -> memref<1x18432xf32, #tpu.memory_space<hbm>>
    %dma_wait3A_103 = tpu.memref_slice %arg9[%dma_wait3A_96] : memref<4x!tpu.dma_semaphore, #tpu.memory_space<semaphore_mem>> -> memref<1x!tpu.dma_semaphore, #tpu.memory_space<semaphore_mem>>
    %dma_wait3A_104 = tpu.memref_squeeze %dma_wait3A_103 : memref<1x!tpu.dma_semaphore, #tpu.memory_space<semaphore_mem>> -> memref<!tpu.dma_semaphore, #tpu.memory_space<semaphore_mem>>
    %dma_wait3A_105 = arith.constant 0 : i32
    %dma_wait3A_106 = tpu.memref_slice %arg4[%add3A_94, %dma_wait3A_105] : memref<2048x18432xf32, #tpu.memory_space<hbm>> -> memref<1x18432xf32, #tpu.memory_space<hbm>>
    %dma_wait3A_107 = arith.constant 0 : i32
    %dma_wait3A_108 = arith.constant 0 : i32
    %dma_wait3A_109 = tpu.memref_slice %arg6[%dma_wait3A_95, %dma_wait3A_107, %dma_wait3A_108] : memref<4x1x18432xf32, #tpu.memory_space<vmem>> -> memref<1x1x18432xf32, #tpu.memory_space<vmem>>
    %dma_wait3A_110 = tpu.memref_squeeze %dma_wait3A_109 : memref<1x1x18432xf32, #tpu.memory_space<vmem>> -> memref<1x18432xf32, #tpu.memory_space<vmem>>
    tpu.wait_dma2 semaphore(%dma_wait3A_104 : memref<!tpu.dma_semaphore, #tpu.memory_space<semaphore_mem>>) src(%dma_wait3A_110 : memref<1x18432xf32, #tpu.memory_space<vmem>>) dst(%dma_wait3A_106 : memref<1x18432xf32, #tpu.memory_space<hbm>>)
    %add3A_111 = arith.constant 61 : i32
    %add3A_112 = arith.addi %mul3A_2, %add3A_111 : i32
    %dma_wait3A_113 = arith.constant 1 : i32
    %dma_wait3A_114 = arith.constant 1 : i32
    %dma_wait3A_115 = arith.constant 0 : i32
    %dma_wait3A_116 = arith.constant 0 : i32
    %dma_wait3A_117 = tpu.memref_slice %arg6[%dma_wait3A_113, %dma_wait3A_115, %dma_wait3A_116] : memref<4x1x18432xf32, #tpu.memory_space<vmem>> -> memref<1x1x18432xf32, #tpu.memory_space<vmem>>
    %dma_wait3A_118 = tpu.memref_squeeze %dma_wait3A_117 : memref<1x1x18432xf32, #tpu.memory_space<vmem>> -> memref<1x18432xf32, #tpu.memory_space<vmem>>
    %dma_wait3A_119 = arith.constant 0 : i32
    %dma_wait3A_120 = tpu.memref_slice %arg4[%add3A_112, %dma_wait3A_119] : memref<2048x18432xf32, #tpu.memory_space<hbm>> -> memref<1x18432xf32, #tpu.memory_space<hbm>>
    %dma_wait3A_121 = tpu.memref_slice %arg9[%dma_wait3A_114] : memref<4x!tpu.dma_semaphore, #tpu.memory_space<semaphore_mem>> -> memref<1x!tpu.dma_semaphore, #tpu.memory_space<semaphore_mem>>
    %dma_wait3A_122 = tpu.memref_squeeze %dma_wait3A_121 : memref<1x!tpu.dma_semaphore, #tpu.memory_space<semaphore_mem>> -> memref<!tpu.dma_semaphore, #tpu.memory_space<semaphore_mem>>
    %dma_wait3A_123 = arith.constant 0 : i32
    %dma_wait3A_124 = tpu.memref_slice %arg4[%add3A_112, %dma_wait3A_123] : memref<2048x18432xf32, #tpu.memory_space<hbm>> -> memref<1x18432xf32, #tpu.memory_space<hbm>>
    %dma_wait3A_125 = arith.constant 0 : i32
    %dma_wait3A_126 = arith.constant 0 : i32
    %dma_wait3A_127 = tpu.memref_slice %arg6[%dma_wait3A_113, %dma_wait3A_125, %dma_wait3A_126] : memref<4x1x18432xf32, #tpu.memory_space<vmem>> -> memref<1x1x18432xf32, #tpu.memory_space<vmem>>
    %dma_wait3A_128 = tpu.memref_squeeze %dma_wait3A_127 : memref<1x1x18432xf32, #tpu.memory_space<vmem>> -> memref<1x18432xf32, #tpu.memory_space<vmem>>
    tpu.wait_dma2 semaphore(%dma_wait3A_122 : memref<!tpu.dma_semaphore, #tpu.memory_space<semaphore_mem>>) src(%dma_wait3A_128 : memref<1x18432xf32, #tpu.memory_space<vmem>>) dst(%dma_wait3A_124 : memref<1x18432xf32, #tpu.memory_space<hbm>>)
    %add3A_129 = arith.constant 62 : i32
    %add3A_130 = arith.addi %mul3A_2, %add3A_129 : i32
    %dma_wait3A_131 = arith.constant 2 : i32
    %dma_wait3A_132 = arith.constant 2 : i32
    %dma_wait3A_133 = arith.constant 0 : i32
    %dma_wait3A_134 = arith.constant 0 : i32
    %dma_wait3A_135 = tpu.memref_slice %arg6[%dma_wait3A_131, %dma_wait3A_133, %dma_wait3A_134] : memref<4x1x18432xf32, #tpu.memory_space<vmem>> -> memref<1x1x18432xf32, #tpu.memory_space<vmem>>
    %dma_wait3A_136 = tpu.memref_squeeze %dma_wait3A_135 : memref<1x1x18432xf32, #tpu.memory_space<vmem>> -> memref<1x18432xf32, #tpu.memory_space<vmem>>
    %dma_wait3A_137 = arith.constant 0 : i32
    %dma_wait3A_138 = tpu.memref_slice %arg4[%add3A_130, %dma_wait3A_137] : memref<2048x18432xf32, #tpu.memory_space<hbm>> -> memref<1x18432xf32, #tpu.memory_space<hbm>>
    %dma_wait3A_139 = tpu.memref_slice %arg9[%dma_wait3A_132] : memref<4x!tpu.dma_semaphore, #tpu.memory_space<semaphore_mem>> -> memref<1x!tpu.dma_semaphore, #tpu.memory_space<semaphore_mem>>
    %dma_wait3A_140 = tpu.memref_squeeze %dma_wait3A_139 : memref<1x!tpu.dma_semaphore, #tpu.memory_space<semaphore_mem>> -> memref<!tpu.dma_semaphore, #tpu.memory_space<semaphore_mem>>
    %dma_wait3A_141 = arith.constant 0 : i32
    %dma_wait3A_142 = tpu.memref_slice %arg4[%add3A_130, %dma_wait3A_141] : memref<2048x18432xf32, #tpu.memory_space<hbm>> -> memref<1x18432xf32, #tpu.memory_space<hbm>>
    %dma_wait3A_143 = arith.constant 0 : i32
    %dma_wait3A_144 = arith.constant 0 : i32
    %dma_wait3A_145 = tpu.memref_slice %arg6[%dma_wait3A_131, %dma_wait3A_143, %dma_wait3A_144] : memref<4x1x18432xf32, #tpu.memory_space<vmem>> -> memref<1x1x18432xf32, #tpu.memory_space<vmem>>
    %dma_wait3A_146 = tpu.memref_squeeze %dma_wait3A_145 : memref<1x1x18432xf32, #tpu.memory_space<vmem>> -> memref<1x18432xf32, #tpu.memory_space<vmem>>
    tpu.wait_dma2 semaphore(%dma_wait3A_140 : memref<!tpu.dma_semaphore, #tpu.memory_space<semaphore_mem>>) src(%dma_wait3A_146 : memref<1x18432xf32, #tpu.memory_space<vmem>>) dst(%dma_wait3A_142 : memref<1x18432xf32, #tpu.memory_space<hbm>>)
    %add3A_147 = arith.constant 63 : i32
    %add3A_148 = arith.addi %mul3A_2, %add3A_147 : i32
    %dma_wait3A_149 = arith.constant 3 : i32
    %dma_wait3A_150 = arith.constant 3 : i32
    %dma_wait3A_151 = arith.constant 0 : i32
    %dma_wait3A_152 = arith.constant 0 : i32
    %dma_wait3A_153 = tpu.memref_slice %arg6[%dma_wait3A_149, %dma_wait3A_151, %dma_wait3A_152] : memref<4x1x18432xf32, #tpu.memory_space<vmem>> -> memref<1x1x18432xf32, #tpu.memory_space<vmem>>
    %dma_wait3A_154 = tpu.memref_squeeze %dma_wait3A_153 : memref<1x1x18432xf32, #tpu.memory_space<vmem>> -> memref<1x18432xf32, #tpu.memory_space<vmem>>
    %dma_wait3A_155 = arith.constant 0 : i32
    %dma_wait3A_156 = tpu.memref_slice %arg4[%add3A_148, %dma_wait3A_155] : memref<2048x18432xf32, #tpu.memory_space<hbm>> -> memref<1x18432xf32, #tpu.memory_space<hbm>>
    %dma_wait3A_157 = tpu.memref_slice %arg9[%dma_wait3A_150] : memref<4x!tpu.dma_semaphore, #tpu.memory_space<semaphore_mem>> -> memref<1x!tpu.dma_semaphore, #tpu.memory_space<semaphore_mem>>
    %dma_wait3A_158 = tpu.memref_squeeze %dma_wait3A_157 : memref<1x!tpu.dma_semaphore, #tpu.memory_space<semaphore_mem>> -> memref<!tpu.dma_semaphore, #tpu.memory_space<semaphore_mem>>
    %dma_wait3A_159 = arith.constant 0 : i32
    %dma_wait3A_160 = tpu.memref_slice %arg4[%add3A_148, %dma_wait3A_159] : memref<2048x18432xf32, #tpu.memory_space<hbm>> -> memref<1x18432xf32, #tpu.memory_space<hbm>>
    %dma_wait3A_161 = arith.constant 0 : i32
    %dma_wait3A_162 = arith.constant 0 : i32
    %dma_wait3A_163 = tpu.memref_slice %arg6[%dma_wait3A_149, %dma_wait3A_161, %dma_wait3A_162] : memref<4x1x18432xf32, #tpu.memory_space<vmem>> -> memref<1x1x18432xf32, #tpu.memory_space<vmem>>
    %dma_wait3A_164 = tpu.memref_squeeze %dma_wait3A_163 : memref<1x1x18432xf32, #tpu.memory_space<vmem>> -> memref<1x18432xf32, #tpu.memory_space<vmem>>
    tpu.wait_dma2 semaphore(%dma_wait3A_158 : memref<!tpu.dma_semaphore, #tpu.memory_space<semaphore_mem>>) src(%dma_wait3A_164 : memref<1x18432xf32, #tpu.memory_space<vmem>>) dst(%dma_wait3A_160 : memref<1x18432xf32, #tpu.memory_space<hbm>>)
    return
  }
}

</mosaic_0001>

<sc_bundles>
// kernel: kernel.3.cloned.1.call-start
scs
__scs_entry_jumppad:
0x0: {  	(pc) =	sbr.rel $0x88, $3  }
0x1: {  	(tag) =	ssettag $0x0;
	lr =	simm.s32 $0x1  }
0x2: {  	[smem:$0x3F9F] =	sst lr;
	_ =	strace $0xD0000000  }
0x3: {  	_ = 	snop  }
0x4: {  	_ = 	snop  }
0x5: {  	_ = 	snop  }
0x6: {  	_ = 	snop  }
0x7: {  	_ = 	snop  }
__scs_overlays_trampoline_lowered:
0x8: {  	[smem:$0x3FAE] =	sst s0  }
0x9: {  	[smem:$0x3FAF] =	sst s1  }
0xa: {  	[smem:$0x3FB0] =	sst s2  }
0xb: {  	[smem:$0x3FB1] =	sst s3  }
0xc: {  	[smem:$0x3FB2] =	sst s4  }
0xd: {  	[smem:$0x3FB3] =	sst s5  }
0xe: {  	[smem:$0x3FB4] =	sst s6  }
0xf: {  	[smem:$0x3FB5] =	sst s7  }
0x10: {  	[smem:$0x3FB6] =	sst s8  }
0x11: {  	[smem:$0x3FB7] =	sst s9;
	s0 =	simm.s32 @!p0 $0x0  }
0x12: {  	s1 =	sld [smem:$0x3F9D];
	s0 =	simm.s32 @p0 $0x1  }
0x13: {  	[smem:$0x3FB8] =	sst s0;
	s0 =	simm.s32 @!p1 $0x0  }
0x14: {  	s2 =	sld [smem:$0x3F9C];
	s0 =	simm.s32 @p1 $0x1  }
0x15: {  	[smem:$0x3FB9] =	sst s0;
	s0 =	simm.s32 @!p2 $0x0  }
0x16: {  	s3 =	sld [smem:$0x3FDB];
	s0 =	simm.s32 @p2 $0x1  }
0x17: {  	s4 =	simm.s32 $0x1BF5;
	[smem:$0x3FBB] =	sst s0  }
0x18: {  	s0 =	sld [smem:$0x3F9E];
	_ =	swait.ge [sflag:s4], $0x0  }
0x19: {  	s7 =	sld [smem:$0x3F9F]  }
0x1a: {  	s8 =	sadd.s32 $0xFFFFE003, lr  }
0x1b: {  	s9 =	sadd.s32 $0xFFFFFEF7, lr;
	s5 =	simm.s32 $0xFFFFFFFF;
	p2 =	slt.u32 s8, $0xFFFFF086  }
0x1c: {  	p1 =	slt.u32 s9, $0xF7A;
	s5 =	simm.s32 @!p2 $0x0  }
0x1d: {  	s5 =	simm.s32 @p1 $0x1;
	p0 =	seq.s32 s7, s2  }
0x1e: {  	s7 =	smul.u32 @!p0 $0xF7A, s2;
	p2 =	seq.s32 @!p0 s5, $0x0  }
0x1f: {  	s9 =	smul.u32 $0xF7A, s1;
	s8 =	simm.s32 @!p0 $0x1BF5;
	p2 =	por !p2, p0  }
0x20: {  	[sflag:s8] =	ssyncset.s32 @!p0 $0xFFFFF086;
	s6 =	sadd.s32 @!p0 s3, s7;
	s7 =	simm.s32 @!p0 $0x108  }
0x21: {  	s3 =	sadd.s32 s3, s9;
	s6 =	sadd.s32 @!p0 $0x88, s6;
	s7 =	simm.s32 @p2 $0x1082  }
0x22: {  	[simem:s7], [sflag:s8] =	dma.local @!p0 [hbm:s6], $0xF7A  }
0x23: {  	s9 =	sor.u32 $0xD0000000, s2;
	s6 =	simm.s32 $0x108;
	_ =	swait.ge @!p0 [sflag:s8], $0x0  }
0x24: {  	s3 =	sadd.s32 $0x88, s3;
	s6 =	simm.s32 @!p1 $0x1082;
	[sflag:s4] =	ssyncset.s32 $0xFFFFF086  }
0x25: {  	[simem:s6], [sflag:s4] =	dma.local [hbm:s3], $0xF7A  }
0x26: {  	[smem:$0x3F9F] =	sst s1;
	(tag) =	ssettag s2;
	_ =	strace s9  }
0x27: {  	s1 =	sld [smem:$0x3FAF]  }
0x28: {  	s2 =	sld [smem:$0x3FB0]  }
0x29: {  	s4 =	sld [smem:$0x3FB2]  }
0x2a: {  	p0 =	seq.s32 s5, $0x0;
	s5 =	sld [smem:$0x3FB3]  }
0x2b: {  	s6 =	sld [smem:$0x3FB4]  }
0x2c: {  	s7 =	sld [smem:$0x3FB5]  }
0x2d: {  	s3 =	simm.s32 $0x108;
	s8 =	sld [smem:$0x3FB6]  }
0x2e: {  	s3 =	simm.s32 @!p0 $0x1082;
	s9 =	sld [smem:$0x3FB7]  }
0x2f: {  	lr =	sadd.s32 s0, s3;
	s0 =	sld [smem:$0x3FAE]  }
0x30: {  	s3 =	sld [smem:$0x3FB1]  }
0x31: {  	[smem:$0x3FBA] =	sst s10  }
0x32: {  	s10 =	sld [smem:$0x3FB8];
	_ =	sdelay $0x3  }
0x33: {  	p0 =	seq.s32 s10, $0x1;
	s10 =	sld [smem:$0x3FBA];
	_ =	sdelay $0x3  }
0x34: {  	[smem:$0x3FBA] =	sst s10  }
0x35: {  	s10 =	sld [smem:$0x3FB9];
	_ =	sdelay $0x3  }
0x36: {  	p1 =	seq.s32 s10, $0x1;
	s10 =	sld [smem:$0x3FBA];
	_ =	sdelay $0x3  }
0x37: {  	[smem:$0x3FBA] =	sst s10  }
0x38: {  	s10 =	sld [smem:$0x3FBB]  }
0x39: {  	_ = 	snop;
	(pc) =	sbr.ind lr, $3  }
0x3a: {  	_ = 	snop  }
0x3b: {  	_ = 	snop  }
0x3c: {  	p2 =	seq.s32 s10, $0x1;
	s10 =	sld [smem:$0x3FBA]  }
0x3d: {  	_ =	shalt  }
0x3e: {  	_ =	shalt  }
0x3f: {  	_ =	shalt  }
0x40: {  	_ =	shalt  }
0x41: {  	_ =	shalt  }
0x42: {  	_ =	shalt  }
0x43: {  	_ =	shalt  }
0x44: {  	_ =	shalt  }
0x45: {  	_ =	shalt  }
0x46: {  	_ =	shalt  }
0x47: {  	_ =	shalt  }
0x48: {  	_ =	shalt  }
0x49: {  	_ =	shalt  }
0x4a: {  	_ =	shalt  }
0x4b: {  	_ =	shalt  }
0x4c: {  	_ =	shalt  }
0x4d: {  	_ =	shalt  }
0x4e: {  	_ =	shalt  }
0x4f: {  	_ =	shalt  }
0x50: {  	_ =	shalt  }
0x51: {  	_ =	shalt  }
0x52: {  	_ =	shalt  }
0x53: {  	_ =	shalt  }
0x54: {  	_ =	shalt  }
0x55: {  	_ =	shalt  }
0x56: {  	_ =	shalt  }
0x57: {  	_ =	shalt  }
0x58: {  	_ =	shalt  }
0x59: {  	_ =	shalt  }
0x5a: {  	_ =	shalt  }
0x5b: {  	_ =	shalt  }
0x5c: {  	_ =	shalt  }
0x5d: {  	_ =	shalt  }
0x5e: {  	_ =	shalt  }
0x5f: {  	_ =	shalt  }
0x60: {  	_ =	shalt  }
0x61: {  	_ =	shalt  }
0x62: {  	_ =	shalt  }
0x63: {  	_ =	shalt  }
0x64: {  	_ =	shalt  }
0x65: {  	_ =	shalt  }
0x66: {  	_ =	shalt  }
0x67: {  	_ =	shalt  }
0x68: {  	_ =	shalt  }
0x69: {  	_ =	shalt  }
0x6a: {  	_ =	shalt  }
0x6b: {  	_ =	shalt  }
0x6c: {  	_ =	shalt  }
0x6d: {  	_ =	shalt  }
0x6e: {  	_ =	shalt  }
0x6f: {  	_ =	shalt  }
0x70: {  	_ =	shalt  }
0x71: {  	_ =	shalt  }
0x72: {  	_ =	shalt  }
0x73: {  	_ =	shalt  }
0x74: {  	_ =	shalt  }
0x75: {  	_ =	shalt  }
0x76: {  	_ =	shalt  }
0x77: {  	_ =	shalt  }
0x78: {  	_ =	shalt  }
0x79: {  	_ =	shalt  }
0x7a: {  	_ =	shalt  }
0x7b: {  	_ =	shalt  }
0x7c: {  	_ =	shalt  }
0x7d: {  	_ =	shalt  }
0x7e: {  	_ =	shalt  }
0x7f: {  	_ =	shalt  }
0x80: {  	_ =	shalt  }
0x81: {  	_ =	shalt  }
0x82: {  	_ =	shalt  }
0x83: {  	_ =	shalt  }
0x84: {  	_ =	shalt  }
0x85: {  	_ =	shalt  }
0x86: {  	_ =	shalt  }
0x87: {  	_ =	shalt  }
.Lfunc_end0:
.L_simem_size_0:
called_computation_lowered:
.L_overlay_start_0:
0x88: {  	s2 =	sld [smem:$0x3FD9]  }
0x89: {  	s3 =	sld [smem:$0x3FFE];
	_ =	sdelay $0x1  }
0x8a: {  	s1 =	srdreg.scid  }
0x8b: {  	s0 =	sand.u32 $0x1, s1  }
0x8c: {  	s18 =	sshll.u32 s0, $0xA;
	s2 =	sadd.s32 s3, s2  }
0x8d: {  	s2 =	sadd.s32 s2, s18  }
0x8e: {  	[smem:$0x3FC6] =	sst s2  }
0x8f: {  	_ = 	snop  }
0x90: {  	s2 =	sld [smem:$0x3FC9]  }
0x91: {  	s19 =	sld [smem:$0x3FC8]  }
0x92: {  	s4 =	sld [smem:$0x3FD0];
	(tm) =	ssettm $0x1  }
0x93: {  	s5 =	sld [smem:$0x3FFB];
	_ =	sdelay $0x3  }
0x94: {  	_ =	strace s5  }
0x95: {  	s5 =	sld [smem:$0x3FFC];
	_ =	sdelay $0x3  }
0x96: {  	_ =	strace s5  }
0x97: {  	s5 =	sld [smem:$0x3FFD];
	_ =	sdelay $0x3  }
0x98: {  	_ =	strace s5  }
0x99: {  	_ =	strace $0x8FFFFFFF  }
0x9a: {  	s20 =	sld [smem:$0x3FDB];
	_ =	sdelay $0x1  }
0x9b: {  	s6 =	simm.s32 $_scs_section_size  }
0x9c: {  	s7 =	simm.s32 $_size__tile_overlayer_lowered;
	s8 =	simm.s32 $_tile_overlayer_lowered  }
0x9d: {  	s23 =	simm.s32 $0x1BFF;
	s22 =	sshll.u32 s8, $0x1;
	s5 =	sadd.s32 s6, s20  }
0x9e: {  	s9 =	simm.s32 $0x0;
	s21 =	sshll.u32 s7, $0x1;
	s7 =	sadd.s32 s22, s5  }
0x9f: {  	[timem:s9], [sflag:s23] =	dma.local [hbm:s7], s21  }
0xa0: {  	_ =	swait.ge [sflag:s23], s21  }
0xa1: {  	s6 =	ssub.s32 $0x0, s21;
	[sflag:s23] =	ssyncset.done $0x0  }
0xa2: {  	[sflag:s23] =	ssyncadd.s32 s6;
	_ =	sdelay $0x1  }
0xa3: {  	s24 =	simm.s32 $0x1B8B  }
0xa4: {  	_ =	swait.ge [sflag:s24], $0x1  }
0xa5: {  	[sflag:s24] =	ssyncset.done $0x0  }
0xa6: {  	s25 =	simm.s32 $0x1B8E;
	[sflag:s24] =	ssyncadd.s32 $0xFFFFFFFF  }
0xa7: {  	s26 =	simm.s32 $execute0_lowered;
	[smem:$0x3FD2] =	sst s25  }
0xa8: {  	s6 =	sshll.u32 s26, $0x1;
	_ =	strace $0x80000046;
	[dreg:$0x1] =	wrdreg $0xFFFFFFFF  }
0xa9: {  	s28 =	simm.s32 $_size_execute0_lowered;
	s5 =	sadd.s32 s5, s6;
	[dreg:$0x0] =	wrdreg $0x0  }
0xaa: {  	s6 =	sshll.u32 s28, $0x1;
	[dreg:$0x2] =	wrdreg s5  }
0xab: {  	[dreg:$0x3] =	wrdreg s6  }
0xac: {  	[dreg:$0x4] =	wrdreg $0xC0  }
0xad: {  	_ =	task [dreg:s9], $0x5FFFF  }
0xae: {  	[dreg:$0x1] =	wrdreg $0xFFFFFFFF  }
0xaf: {  	[dreg:$0x0] =	wrdreg $0x60  }
0xb0: {  	[dreg:$0x2] =	wrdreg s19  }
0xb1: {  	[dreg:$0x3] =	wrdreg s2  }
0xb2: {  	[dreg:$0x4] =	wrdreg s4  }
0xb3: {  	[dreg:$0x5] =	wrdreg $0x9  }
0xb4: {  	_ =	task.clear_ibuf [dreg:s9], $0x6FFFF;
	_ =	strace $0x90000046  }
0xb5: {  	s29 =	simm.s32 $0x9;
	_ =	strace $0x80000048  }
0xb6: {  	_ =	swait.ge [sflag:s29], $0x1  }
0xb7: {  	[sflag:s29] =	ssyncadd.s32 $0xFFFFFFFF  }
0xb8: {  	_ =	strace $0x90000048  }
0xb9: {  	_ =	sfence  }
0xba: {  	s30 =	sld [smem:$0x0];
	_ =	sdelay $0x2  }
0xbb: {  	s31 =	sshll.u32 s1, $0xD;
	s1 =	sshrl.u32 s1, $0x2  }
0xbc: {  	s3 =	sand.u32 $0x4000, s31;
	s1 =	sadd.s32 s1, s30  }
0xbd: {  	s0 =	sor.u32 s3, s0;
	s1 =	sshll.u32 s1, $0x11  }
0xbe: {  	s0 =	sor.u32 s1, s0  }
0xbf: {  	s0 =	sadd.s32 $0x8F2B, s0  }
0xc0: {  	[sflag:s0] =	ssyncadd.remote.s32 $0x1  }
0xc1: {  	_ =	sfence.sel $0xFFFF  }
0xc2: {  	[dreg:$0x0] =	wrdreg $0xFFFFFFFF;
	(pc) =	sbr.abs _section_cstart, $3  }
0xc3: {  	[dreg:$0x1] =	wrdreg $0xFFFFFFFF  }
0xc4: {  	_ =	task.clear_ibuf [dreg:s9], $0x2FFFF;
	_ =	strace $0x9FFFFFFF  }
0xc5: {  	(tm) =	ssettm $0x7FFFFFFF  }
tec
execute0_lowered:
.L_overlay_start_1:
0x0: {  	(tag) =	ssettag $0x1  }
0x1: {  	s0 =	srdreg.scid;
	s21 =	rddreg [dreg:$0x1]  }
0x2: {  	s16 =	stileid.u32;
	s3 =	rddreg [dreg:$0x2];
	s5 =	simm.s32 $0x1  }
0x3: {  	s4 =	simm.s32 $0x0;
	s31 =	simm.s32 $0x4880;
	s30 =	simm.s32 $0x2  }
0x4: {  	s28 =	simm.s32 $0x7;
	s29 =	simm.s32 $0x8;
	s17 =	simm.s32 $0x0  }
0x5: {  	s0 =	sand.u32 $0x1, s0;
	s1 =	sshll.u32 s16, $0x1;
	[smem:$0x7FF] =	sst s4  }
0x6: {  	s25 =	sshll.u32 s16, $0x7;
	s2 =	sor.u32 s0, s1;
	s1 =	rddreg [dreg:$0x0]  }
0x7: {  	p1 =	seq.s32 s0, $0x1;
	s6 =	ssub.s32 $0x2, s0;
	_ =	strace $0x80000047  }
0x8: {  	s22 =	sshll.u32 s0, $0x6;
	p0 =	seq.s32 s2, $0x0;
	s7 =	sshrl.u32 s6, $0x1  }
0x9: {  	s8 =	sadd.s32 $0x800, s1;
	s9 =	sadd.s32 $0x1000, s1;
	s10 =	sadd.s32 $0x1800, s1  }
0xa: {  	s11 =	sadd.s32 $0x2000, s1;
	s12 =	sadd.s32 $0x2800, s1;
	s13 =	sadd.s32 $0x3000, s1  }
0xb: {  	s14 =	sadd.s32 $0x3800, s1;
	s0 =	sor.u32 $0x1, s22;
	[dreg:$0x5] =	wrdreg s22  }
0xc: {  	s15 =	sadd.s32 $0x4000, s1;
	s23 =	sor.u32 $0x2, s22;
	[dreg:$0x6] =	wrdreg s0  }
0xd: {  	s26 =	sor.u32 $0x6, s22;
	p0 =	por !p0, !p1;
	[dreg:$0x7] =	wrdreg s23  }
0xe: {  	s6 =	ssub.s32 s6, s7;
	s0 =	sor.u32 s22, s25;
	[dreg:$0xa] =	wrdreg s26  }
0xf: {  	s7 =	simm.s32 $0x9080;
	s22 =	simm.s32 $0x11880;
	p0 =	por !p0, !p0  }
0x10: {  	s23 =	simm.s32 $0x3;
	s25 =	simm.s32 $0x5;
	s5 =	simm.s32 @!p0 $0x0  }
.Ltmp0:
0x11: {  	s26 =	simm.s32 $0x6;
	s5 =	ssub.s32 s16, s5;
	(pc) =	sbr.rel .LBB2_1-.Ltmp0, $4  }
0x12: {  	s24 =	smax.u32 s6, $0x1;
	[dreg:$0x9] =	wrdreg s0;
	s5 =	sshll.u32 s5, $0x4  }
0x13: {  	s0 =	simm.s32 $0xD880;
	[dreg:$0x8] =	wrdreg s24;
	s5 =	sand.u32 $0x1FFFFFF0, s5  }
0x14: {  	v1 =	vlaneseq.u32;
	s24 =	simm.s32 $0x4;
	s2 =	sadd.s32 s21, s5;
	s21 =	simm.s32 $0x80  }
0x15: {  	v0 =	vimm.s32 $0x0;
	vm0 =	vmmov $0xffff;
	v1 =	vmul.u32 $0x8, v1;
	s5 =	simm.s32 $0x11080;
	[dreg:$0x4] =	wrdreg s2;
	s2 =	simm.s32 $0x400  }
.LBB2_7:
0x16: {  	_ =	swait.ge [sflag:s26], $0x4800  }
0x17: {  	[sflag:s26] =	ssyncset.done $0x0  }
0x18: {  	[sflag:s26] =	ssyncadd.s32 $0xFFFFB800  }
0x19: {  	_ =	swait.ge [sflag:s28], $0x4800  }
0x1a: {  	[sflag:s28] =	ssyncset.done $0x0  }
0x1b: {  	[sflag:s28] =	ssyncadd.s32 $0xFFFFB800  }
0x1c: {  	_ =	swait.ge [sflag:s29], $0x4800  }
0x1d: {  	[sflag:s29] =	ssyncset.done $0x0  }
0x1e: {  	s16 =	simm.s32 $0x9;
	[sflag:s29] =	ssyncadd.s32 $0xFFFFB800  }
0x1f: {  	_ =	swait.ge [sflag:s16], $0x4800  }
0x20: {  	s17 =	rddreg [dreg:$0xb]  }
0x21: {  	s6 =	rddreg [dreg:$0x8];
	s17 =	sadd.s32 $0x1, s17  }
0x22: {  	p0 =	sne.s32 s17, s6  }
.Ltmp1:
0x23: {  	_ = 	snop;
	(pc) =	sbr.rel @!p0 .LBB2_8-.Ltmp1, $3  }
0x24: {  	_ =	sdelay $0x1  }
0x25: {  	[sflag:s16] =	ssyncset.done $0x0  }
0x26: {  	[sflag:s16] =	ssyncadd.s32 $0xFFFFB800  }
.LBB2_1:
0x27: {  	[dreg:$0xb] =	wrdreg s17  }
0x28: {  	s6 =	rddreg [dreg:$0x4];
	s18 =	simm.s32 $0x1  }
0x29: {  	[tilespmem:s4], [sflag:$0x1] =	stream.linear.gather [hbm4b:s6+s4], $0x80, $0x38;
	[tilespmem:$0x12080] =	vst v63  }
0x2a: {  	_ =	swait.ge [sflag:s18], $0x80  }
0x2b: {  	[sflag:s18] =	ssyncset.done $0x0  }
0x2c: {  	s19 =	rddreg [dreg:$0x5];
	[sflag:s18] =	ssyncadd.s32 $0xFFFFFF80  }
0x2d: {  	v2 =	vld.msk [tilespmem:s19+$0x0], $0x1;
	_ =	sdelay $0x4  }
0x2e: {  	v3 =	vshrl.u32 v2, $0x3  }
0x2f: {  	v3 =	vmul.u32 $0x480, v3  }
0x30: {  	v2 =	vand.u32 $0x7, v2  }
0x31: {  	v2 =	vor.u32 v2, v3  }
0x32: {  	v2 =	vperm.xlane v2, v0;
	_ =	sdelay $0x1  }
0x33: {  	v2 =	vadd.s32 v1, v2;
	_ =	sdelay $0x4  }
0x34: {  	[tilespmem:s21], [sflag:$0x2] =	stream.indirect_vreg.gather [hbm4b:s1+s4], $0x80, v2, vm0, $0xb8;
	[tilespmem:$0x12080] =	vst v63  }
0x35: {  	s20 =	simm.s32 $0x880  }
0x36: {  	[tilespmem:s20], [sflag:$0x2] =	stream.indirect_vreg.gather [hbm4b:s8+s4], $0x80, v2, vm0, $0xb8;
	[tilespmem:$0x12080] =	vst v63  }
0x37: {  	s16 =	simm.s32 $0x1080  }
0x38: {  	[tilespmem:s16], [sflag:$0x2] =	stream.indirect_vreg.gather [hbm4b:s9+s4], $0x80, v2, vm0, $0xb8;
	[tilespmem:$0x12080] =	vst v63  }
0x39: {  	s17 =	simm.s32 $0x1880  }
0x3a: {  	[tilespmem:s17], [sflag:$0x2] =	stream.indirect_vreg.gather [hbm4b:s10+s4], $0x80, v2, vm0, $0xb8;
	[tilespmem:$0x12080] =	vst v63  }
0x3b: {  	s18 =	simm.s32 $0x2080  }
0x3c: {  	[tilespmem:s18], [sflag:$0x2] =	stream.indirect_vreg.gather [hbm4b:s11+s4], $0x80, v2, vm0, $0xb8;
	[tilespmem:$0x12080] =	vst v63  }
0x3d: {  	s19 =	simm.s32 $0x2880  }
0x3e: {  	[tilespmem:s19], [sflag:$0x2] =	stream.indirect_vreg.gather [hbm4b:s12+s4], $0x80, v2, vm0, $0xb8;
	[tilespmem:$0x12080] =	vst v63  }
0x3f: {  	s20 =	simm.s32 $0x3080  }
0x40: {  	[tilespmem:s20], [sflag:$0x2] =	stream.indirect_vreg.gather [hbm4b:s13+s4], $0x80, v2, vm0, $0xb8;
	[tilespmem:$0x12080] =	vst v63  }
0x41: {  	s16 =	simm.s32 $0x3880  }
0x42: {  	[tilespmem:s16], [sflag:$0x2] =	stream.indirect_vreg.gather [hbm4b:s14+s4], $0x80, v2, vm0, $0xb8;
	[tilespmem:$0x12080] =	vst v63  }
0x43: {  	s17 =	simm.s32 $0x4080;
	s18 =	rddreg [dreg:$0x6]  }
0x44: {  	[tilespmem:s17], [sflag:$0x2] =	stream.indirect_vreg.gather [hbm4b:s15+s4], $0x80, v2, vm0, $0xb8;
	[tilespmem:$0x12080] =	vst v63  }
0x45: {  	v2 =	vld.msk [tilespmem:s18+$0x0], $0x1;
	_ =	sdelay $0x4  }
0x46: {  	v3 =	vshrl.u32 v2, $0x3  }
0x47: {  	v3 =	vmul.u32 $0x480, v3  }
0x48: {  	v2 =	vand.u32 $0x7, v2  }
0x49: {  	v2 =	vor.u32 v2, v3  }
0x4a: {  	v2 =	vperm.xlane v2, v0;
	_ =	sdelay $0x1  }
0x4b: {  	v2 =	vadd.s32 v1, v2;
	_ =	sdelay $0x4  }
0x4c: {  	[tilespmem:s31], [sflag:$0x3] =	stream.indirect_vreg.gather [hbm4b:s1+s4], $0x80, v2, vm0, $0xb8;
	[tilespmem:$0x12080] =	vst v63  }
0x4d: {  	s19 =	simm.s32 $0x5080  }
0x4e: {  	[tilespmem:s19], [sflag:$0x3] =	stream.indirect_vreg.gather [hbm4b:s8+s4], $0x80, v2, vm0, $0xb8;
	[tilespmem:$0x12080] =	vst v63  }
0x4f: {  	s20 =	simm.s32 $0x5880  }
0x50: {  	[tilespmem:s20], [sflag:$0x3] =	stream.indirect_vreg.gather [hbm4b:s9+s4], $0x80, v2, vm0, $0xb8;
	[tilespmem:$0x12080] =	vst v63  }
0x51: {  	s16 =	simm.s32 $0x6080  }
0x52: {  	[tilespmem:s16], [sflag:$0x3] =	stream.indirect_vreg.gather [hbm4b:s10+s4], $0x80, v2, vm0, $0xb8;
	[tilespmem:$0x12080] =	vst v63  }
0x53: {  	s17 =	simm.s32 $0x6880  }
0x54: {  	[tilespmem:s17], [sflag:$0x3] =	stream.indirect_vreg.gather [hbm4b:s11+s4], $0x80, v2, vm0, $0xb8;
	[tilespmem:$0x12080] =	vst v63  }
0x55: {  	s18 =	simm.s32 $0x7080  }
0x56: {  	[tilespmem:s18], [sflag:$0x3] =	stream.indirect_vreg.gather [hbm4b:s12+s4], $0x80, v2, vm0, $0xb8;
	[tilespmem:$0x12080] =	vst v63  }
0x57: {  	s19 =	simm.s32 $0x7880  }
0x58: {  	[tilespmem:s19], [sflag:$0x3] =	stream.indirect_vreg.gather [hbm4b:s13+s4], $0x80, v2, vm0, $0xb8;
	[tilespmem:$0x12080] =	vst v63  }
0x59: {  	s20 =	simm.s32 $0x8080  }
0x5a: {  	[tilespmem:s20], [sflag:$0x3] =	stream.indirect_vreg.gather [hbm4b:s14+s4], $0x80, v2, vm0, $0xb8;
	[tilespmem:$0x12080] =	vst v63  }
0x5b: {  	s16 =	simm.s32 $0x8880;
	s17 =	rddreg [dreg:$0x7]  }
0x5c: {  	[tilespmem:s16], [sflag:$0x3] =	stream.indirect_vreg.gather [hbm4b:s15+s4], $0x80, v2, vm0, $0xb8;
	[tilespmem:$0x12080] =	vst v63  }
0x5d: {  	v2 =	vld.msk [tilespmem:s17+$0x0], $0x1;
	_ =	sdelay $0x4  }
0x5e: {  	v3 =	vshrl.u32 v2, $0x3  }
0x5f: {  	v3 =	vmul.u32 $0x480, v3  }
0x60: {  	v2 =	vand.u32 $0x7, v2  }
0x61: {  	v2 =	vor.u32 v2, v3  }
0x62: {  	v2 =	vperm.xlane v2, v0;
	_ =	sdelay $0x1  }
0x63: {  	v2 =	vadd.s32 v1, v2;
	_ =	sdelay $0x4  }
0x64: {  	[tilespmem:s7], [sflag:$0x4] =	stream.indirect_vreg.gather [hbm4b:s1+s4], $0x80, v2, vm0, $0xb8;
	[tilespmem:$0x12080] =	vst v63  }
0x65: {  	s18 =	simm.s32 $0x9880  }
0x66: {  	[tilespmem:s18], [sflag:$0x4] =	stream.indirect_vreg.gather [hbm4b:s8+s4], $0x80, v2, vm0, $0xb8;
	[tilespmem:$0x12080] =	vst v63  }
0x67: {  	s19 =	simm.s32 $0xA080  }
0x68: {  	[tilespmem:s19], [sflag:$0x4] =	stream.indirect_vreg.gather [hbm4b:s9+s4], $0x80, v2, vm0, $0xb8;
	[tilespmem:$0x12080] =	vst v63  }
0x69: {  	s20 =	simm.s32 $0xA880  }
0x6a: {  	[tilespmem:s20], [sflag:$0x4] =	stream.indirect_vreg.gather [hbm4b:s10+s4], $0x80, v2, vm0, $0xb8;
	[tilespmem:$0x12080] =	vst v63  }
0x6b: {  	s16 =	simm.s32 $0xB080  }
0x6c: {  	[tilespmem:s16], [sflag:$0x4] =	stream.indirect_vreg.gather [hbm4b:s11+s4], $0x80, v2, vm0, $0xb8;
	[tilespmem:$0x12080] =	vst v63  }
0x6d: {  	s17 =	simm.s32 $0xB880  }
0x6e: {  	[tilespmem:s17], [sflag:$0x4] =	stream.indirect_vreg.gather [hbm4b:s12+s4], $0x80, v2, vm0, $0xb8;
	[tilespmem:$0x12080] =	vst v63  }
0x6f: {  	s18 =	simm.s32 $0xC080  }
0x70: {  	[tilespmem:s18], [sflag:$0x4] =	stream.indirect_vreg.gather [hbm4b:s13+s4], $0x80, v2, vm0, $0xb8;
	[tilespmem:$0x12080] =	vst v63  }
0x71: {  	s6 =	rddreg [dreg:$0xa];
	s19 =	simm.s32 $0xC880  }
0x72: {  	[tilespmem:s19], [sflag:$0x4] =	stream.indirect_vreg.gather [hbm4b:s14+s4], $0x80, v2, vm0, $0xb8;
	[tilespmem:$0x12080] =	vst v63  }
0x73: {  	s20 =	simm.s32 $0xD080;
	s16 =	rddreg [dreg:$0x9];
	s17 =	simm.s32 $0x0  }
0x74: {  	[tilespmem:s20], [sflag:$0x4] =	stream.indirect_vreg.gather [hbm4b:s15+s4], $0x80, v2, vm0, $0xb8;
	[tilespmem:$0x12080] =	vst v63  }
.LBB2_2:
0x75: {  	s18 =	sshrl.u32 s16, $0x3  }
0x76: {  	s18 =	smul.u32 $0x24000, s18  }
0x77: {  	s19 =	sand.u32 $0x200, s17  }
0x78: {  	_ =	swait.ge [sflag:s30], $0x4800;
	s19 =	sor.u32 s19, s18  }
0x79: {  	[sflag:s30] =	ssyncset.done $0x0;
	s19 =	sshrl.u32 s19, $0x3  }
0x7a: {  	p0 =	seq.s32 s17, $0x0;
	[sflag:s30] =	ssyncadd.s32 $0xFFFFB800;
	s20 =	sadd.s32 s3, s19  }
0x7b: {  	[hbm4b:s20+s21] =	stream.strided.scatter [tilespmem:s21], [sflag:$0x6], $0x4800, s2, s21, $0x38;
	[tilespmem:$0x12080] =	vst v63  }
0x7c: {  	s20 =	simm.s32 @!p0 $0x9  }
0x7d: {  	_ =	swait.ge @!p0 [sflag:s20], $0x4800  }
0x7e: {  	[sflag:s20] =	ssyncset.done @!p0 $0x0  }
0x7f: {  	[sflag:s20] =	ssyncadd.s32 @!p0 $0xFFFFB800  }
0x80: {  	v2 =	vld.msk [tilespmem:s6+$0xFFFFFFFD], $0x1;
	_ =	sdelay $0x4  }
0x81: {  	v3 =	vshrl.u32 v2, $0x3  }
0x82: {  	v3 =	vmul.u32 $0x480, v3  }
0x83: {  	v2 =	vand.u32 $0x7, v2  }
0x84: {  	v2 =	vor.u32 v2, v3  }
0x85: {  	v2 =	vperm.xlane v2, v0;
	_ =	sdelay $0x1  }
0x86: {  	v2 =	vadd.s32 v1, v2;
	_ =	sdelay $0x4  }
0x87: {  	[tilespmem:s0], [sflag:$0x5] =	stream.indirect_vreg.gather [hbm4b:s1+s4], $0x80, v2, vm0, $0xb8;
	[tilespmem:$0x12080] =	vst v63  }
0x88: {  	s20 =	simm.s32 $0xE080  }
0x89: {  	[tilespmem:s20], [sflag:$0x5] =	stream.indirect_vreg.gather [hbm4b:s8+s4], $0x80, v2, vm0, $0xb8;
	[tilespmem:$0x12080] =	vst v63  }
0x8a: {  	s20 =	simm.s32 $0xE880  }
0x8b: {  	[tilespmem:s20], [sflag:$0x5] =	stream.indirect_vreg.gather [hbm4b:s9+s4], $0x80, v2, vm0, $0xb8;
	[tilespmem:$0x12080] =	vst v63  }
0x8c: {  	s20 =	simm.s32 $0xF080  }
0x8d: {  	[tilespmem:s20], [sflag:$0x5] =	stream.indirect_vreg.gather [hbm4b:s10+s4], $0x80, v2, vm0, $0xb8;
	[tilespmem:$0x12080] =	vst v63  }
0x8e: {  	s20 =	simm.s32 $0xF880  }
0x8f: {  	[tilespmem:s20], [sflag:$0x5] =	stream.indirect_vreg.gather [hbm4b:s11+s4], $0x80, v2, vm0, $0xb8;
	[tilespmem:$0x12080] =	vst v63  }
0x90: {  	s20 =	simm.s32 $0x10080  }
0x91: {  	[tilespmem:s20], [sflag:$0x5] =	stream.indirect_vreg.gather [hbm4b:s12+s4], $0x80, v2, vm0, $0xb8;
	[tilespmem:$0x12080] =	vst v63  }
0x92: {  	s20 =	simm.s32 $0x10880  }
0x93: {  	[tilespmem:s20], [sflag:$0x5] =	stream.indirect_vreg.gather [hbm4b:s13+s4], $0x80, v2, vm0, $0xb8;
	[tilespmem:$0x12080] =	vst v63  }
0x94: {  	_ = 	snop  }
0x95: {  	[tilespmem:s5], [sflag:$0x5] =	stream.indirect_vreg.gather [hbm4b:s14+s4], $0x80, v2, vm0, $0xb8;
	[tilespmem:$0x12080] =	vst v63  }
0x96: {  	p0 =	seq.s32 s17, $0x1E00  }
0x97: {  	[tilespmem:s22], [sflag:$0x5] =	stream.indirect_vreg.gather [hbm4b:s15+s4], $0x80, v2, vm0, $0xb8;
	[tilespmem:$0x12080] =	vst v63  }
.Ltmp2:
0x98: {  	_ = 	snop;
	(pc) =	sbr.rel @!p0 .LBB2_3-.Ltmp2, $4  }
0x99: {  	_ =	swait.ge [sflag:s23], $0x4800  }
0x9a: {  	s19 =	sadd.s32 s19, s3;
	[sflag:s23] =	ssyncset.done $0x0  }
0x9b: {  	s20 =	sadd.s32 $0x10, s19;
	s19 =	sadd.s32 $0x20, s19;
	[sflag:s23] =	ssyncadd.s32 $0xFFFFB800  }
0x9c: {  	[hbm4b:s20+s21] =	stream.strided.scatter [tilespmem:s31], [sflag:$0x7], $0x4800, s2, s21, $0x38;
	[tilespmem:$0x12080] =	vst v63  }
.Ltmp3:
0x9d: {  	(pc) =	sbr.rel .LBB2_5-.Ltmp3, $4  }
0x9e: {  	_ =	swait.ge [sflag:s24], $0x4800  }
0x9f: {  	[sflag:s24] =	ssyncset.done $0x0  }
0xa0: {  	[sflag:s24] =	ssyncadd.s32 $0xFFFFB800  }
0xa1: {  	[hbm4b:s19+s21] =	stream.strided.scatter [tilespmem:s7], [sflag:$0x8], $0x4800, s2, s21, $0x38;
	[tilespmem:$0x12080] =	vst v63  }
.LBB2_3:
0xa2: {  	_ =	swait.ge [sflag:s26], $0x4800  }
0xa3: {  	[sflag:s26] =	ssyncset.done $0x0  }
0xa4: {  	[sflag:s26] =	ssyncadd.s32 $0xFFFFB800  }
0xa5: {  	v2 =	vld.msk [tilespmem:s6+$0xFFFFFFFE], $0x1;
	_ =	sdelay $0x4  }
0xa6: {  	v3 =	vshrl.u32 v2, $0x3  }
0xa7: {  	v3 =	vmul.u32 $0x480, v3  }
0xa8: {  	v2 =	vand.u32 $0x7, v2  }
0xa9: {  	v2 =	vor.u32 v2, v3  }
0xaa: {  	v2 =	vperm.xlane v2, v0;
	_ =	sdelay $0x1  }
0xab: {  	v2 =	vadd.s32 v1, v2;
	_ =	sdelay $0x4  }
0xac: {  	[tilespmem:s21], [sflag:$0x2] =	stream.indirect_vreg.gather [hbm4b:s1+s4], $0x80, v2, vm0, $0xb8;
	[tilespmem:$0x12080] =	vst v63  }
0xad: {  	s20 =	simm.s32 $0x880  }
0xae: {  	[tilespmem:s20], [sflag:$0x2] =	stream.indirect_vreg.gather [hbm4b:s8+s4], $0x80, v2, vm0, $0xb8;
	[tilespmem:$0x12080] =	vst v63  }
0xaf: {  	s20 =	simm.s32 $0x1080  }
0xb0: {  	[tilespmem:s20], [sflag:$0x2] =	stream.indirect_vreg.gather [hbm4b:s9+s4], $0x80, v2, vm0, $0xb8;
	[tilespmem:$0x12080] =	vst v63  }
0xb1: {  	s20 =	simm.s32 $0x1880  }
0xb2: {  	[tilespmem:s20], [sflag:$0x2] =	stream.indirect_vreg.gather [hbm4b:s10+s4], $0x80, v2, vm0, $0xb8;
	[tilespmem:$0x12080] =	vst v63  }
0xb3: {  	s20 =	simm.s32 $0x2080  }
0xb4: {  	[tilespmem:s20], [sflag:$0x2] =	stream.indirect_vreg.gather [hbm4b:s11+s4], $0x80, v2, vm0, $0xb8;
	[tilespmem:$0x12080] =	vst v63  }
0xb5: {  	s20 =	simm.s32 $0x2880  }
0xb6: {  	[tilespmem:s20], [sflag:$0x2] =	stream.indirect_vreg.gather [hbm4b:s12+s4], $0x80, v2, vm0, $0xb8;
	[tilespmem:$0x12080] =	vst v63  }
0xb7: {  	s20 =	simm.s32 $0x3080  }
0xb8: {  	[tilespmem:s20], [sflag:$0x2] =	stream.indirect_vreg.gather [hbm4b:s13+s4], $0x80, v2, vm0, $0xb8;
	[tilespmem:$0x12080] =	vst v63  }
0xb9: {  	s20 =	simm.s32 $0x3880  }
0xba: {  	[tilespmem:s20], [sflag:$0x2] =	stream.indirect_vreg.gather [hbm4b:s14+s4], $0x80, v2, vm0, $0xb8;
	[tilespmem:$0x12080] =	vst v63  }
0xbb: {  	s20 =	simm.s32 $0x4080  }
0xbc: {  	[tilespmem:s20], [sflag:$0x2] =	stream.indirect_vreg.gather [hbm4b:s15+s4], $0x80, v2, vm0, $0xb8;
	[tilespmem:$0x12080] =	vst v63  }
0xbd: {  	_ =	swait.ge [sflag:s24], $0x4800  }
0xbe: {  	[sflag:s24] =	ssyncset.done $0x0  }
0xbf: {  	[sflag:s24] =	ssyncadd.s32 $0xFFFFB800  }
0xc0: {  	[hbm4b:s19+s21] =	stream.strided.scatter [tilespmem:s7], [sflag:$0x8], $0x4800, s2, s21, $0x38;
	[tilespmem:$0x12080] =	vst v63  }
0xc1: {  	_ =	swait.ge [sflag:s28], $0x4800  }
0xc2: {  	[sflag:s28] =	ssyncset.done $0x0  }
0xc3: {  	[sflag:s28] =	ssyncadd.s32 $0xFFFFB800  }
0xc4: {  	v2 =	vld.msk [tilespmem:s6+$0xFFFFFFFF], $0x1;
	_ =	sdelay $0x4  }
0xc5: {  	v3 =	vshrl.u32 v2, $0x3  }
0xc6: {  	v3 =	vmul.u32 $0x480, v3  }
0xc7: {  	v2 =	vand.u32 $0x7, v2  }
0xc8: {  	v2 =	vor.u32 v2, v3  }
0xc9: {  	v2 =	vperm.xlane v2, v0;
	_ =	sdelay $0x1  }
0xca: {  	v2 =	vadd.s32 v1, v2;
	_ =	sdelay $0x4  }
0xcb: {  	[tilespmem:s31], [sflag:$0x3] =	stream.indirect_vreg.gather [hbm4b:s1+s4], $0x80, v2, vm0, $0xb8;
	[tilespmem:$0x12080] =	vst v63  }
0xcc: {  	s20 =	simm.s32 $0x5080  }
0xcd: {  	[tilespmem:s20], [sflag:$0x3] =	stream.indirect_vreg.gather [hbm4b:s8+s4], $0x80, v2, vm0, $0xb8;
	[tilespmem:$0x12080] =	vst v63  }
0xce: {  	s20 =	simm.s32 $0x5880  }
0xcf: {  	[tilespmem:s20], [sflag:$0x3] =	stream.indirect_vreg.gather [hbm4b:s9+s4], $0x80, v2, vm0, $0xb8;
	[tilespmem:$0x12080] =	vst v63  }
0xd0: {  	s20 =	simm.s32 $0x6080  }
0xd1: {  	[tilespmem:s20], [sflag:$0x3] =	stream.indirect_vreg.gather [hbm4b:s10+s4], $0x80, v2, vm0, $0xb8;
	[tilespmem:$0x12080] =	vst v63  }
0xd2: {  	s20 =	simm.s32 $0x6880  }
0xd3: {  	[tilespmem:s20], [sflag:$0x3] =	stream.indirect_vreg.gather [hbm4b:s11+s4], $0x80, v2, vm0, $0xb8;
	[tilespmem:$0x12080] =	vst v63  }
0xd4: {  	s20 =	simm.s32 $0x7080  }
0xd5: {  	[tilespmem:s20], [sflag:$0x3] =	stream.indirect_vreg.gather [hbm4b:s12+s4], $0x80, v2, vm0, $0xb8;
	[tilespmem:$0x12080] =	vst v63  }
0xd6: {  	s20 =	simm.s32 $0x7880  }
0xd7: {  	[tilespmem:s20], [sflag:$0x3] =	stream.indirect_vreg.gather [hbm4b:s13+s4], $0x80, v2, vm0, $0xb8;
	[tilespmem:$0x12080] =	vst v63  }
0xd8: {  	s20 =	simm.s32 $0x8080  }
0xd9: {  	[tilespmem:s20], [sflag:$0x3] =	stream.indirect_vreg.gather [hbm4b:s14+s4], $0x80, v2, vm0, $0xb8;
	[tilespmem:$0x12080] =	vst v63  }
0xda: {  	s20 =	simm.s32 $0x8880  }
0xdb: {  	[tilespmem:s20], [sflag:$0x3] =	stream.indirect_vreg.gather [hbm4b:s15+s4], $0x80, v2, vm0, $0xb8;
	[tilespmem:$0x12080] =	vst v63  }
.LBB2_5:
0xdc: {  	s19 =	sadd.s32 $0x180, s17  }
.Ltmp4:
0xdd: {  	s19 =	sand.u32 $0x380, s19;
	(pc) =	sbr.rel @p0 .LBB2_7-.Ltmp4, $4  }
0xde: {  	_ =	swait.ge [sflag:s25], $0x4800;
	s18 =	sor.u32 s19, s18  }
0xdf: {  	[sflag:s25] =	ssyncset.done $0x0;
	s18 =	sshrl.u32 s18, $0x3  }
0xe0: {  	[sflag:s25] =	ssyncadd.s32 $0xFFFFB800;
	s18 =	sadd.s32 s3, s18  }
0xe1: {  	[hbm4b:s18+s21] =	stream.strided.scatter [tilespmem:s0], [sflag:$0x9], $0x4800, s2, s21, $0x38;
	[tilespmem:$0x12080] =	vst v63  }
0xe2: {  	_ =	swait.ge [sflag:s29], $0x4800  }
0xe3: {  	[sflag:s29] =	ssyncset.done $0x0  }
0xe4: {  	[sflag:s29] =	ssyncadd.s32 $0xFFFFB800  }
0xe5: {  	v2 =	vld.msk [tilespmem:s6+$0x0], $0x1;
	_ =	sdelay $0x4  }
0xe6: {  	v3 =	vshrl.u32 v2, $0x3  }
0xe7: {  	v3 =	vmul.u32 $0x480, v3  }
0xe8: {  	v2 =	vand.u32 $0x7, v2  }
0xe9: {  	v2 =	vor.u32 v2, v3  }
0xea: {  	v2 =	vperm.xlane v2, v0;
	_ =	sdelay $0x1  }
0xeb: {  	v2 =	vadd.s32 v1, v2;
	_ =	sdelay $0x4  }
0xec: {  	[tilespmem:s7], [sflag:$0x4] =	stream.indirect_vreg.gather [hbm4b:s1+s4], $0x80, v2, vm0, $0xb8;
	[tilespmem:$0x12080] =	vst v63  }
0xed: {  	s18 =	simm.s32 $0x9880  }
0xee: {  	[tilespmem:s18], [sflag:$0x4] =	stream.indirect_vreg.gather [hbm4b:s8+s4], $0x80, v2, vm0, $0xb8;
	[tilespmem:$0x12080] =	vst v63  }
0xef: {  	s20 =	simm.s32 $0xA080  }
0xf0: {  	[tilespmem:s20], [sflag:$0x4] =	stream.indirect_vreg.gather [hbm4b:s9+s4], $0x80, v2, vm0, $0xb8;
	[tilespmem:$0x12080] =	vst v63  }
0xf1: {  	s19 =	simm.s32 $0xA880  }
0xf2: {  	[tilespmem:s19], [sflag:$0x4] =	stream.indirect_vreg.gather [hbm4b:s10+s4], $0x80, v2, vm0, $0xb8;
	[tilespmem:$0x12080] =	vst v63  }
0xf3: {  	s20 =	simm.s32 $0xB080  }
0xf4: {  	[tilespmem:s20], [sflag:$0x4] =	stream.indirect_vreg.gather [hbm4b:s11+s4], $0x80, v2, vm0, $0xb8;
	[tilespmem:$0x12080] =	vst v63  }
0xf5: {  	s19 =	simm.s32 $0xB880  }
0xf6: {  	[tilespmem:s19], [sflag:$0x4] =	stream.indirect_vreg.gather [hbm4b:s12+s4], $0x80, v2, vm0, $0xb8;
	[tilespmem:$0x12080] =	vst v63  }
0xf7: {  	s20 =	simm.s32 $0xC080  }
0xf8: {  	[tilespmem:s20], [sflag:$0x4] =	stream.indirect_vreg.gather [hbm4b:s13+s4], $0x80, v2, vm0, $0xb8;
	[tilespmem:$0x12080] =	vst v63  }
.Ltmp5:
0xf9: {  	_ = 	snop;
	(pc) =	sbr.rel .LBB2_2-.Ltmp5, $4  }
0xfa: {  	s17 =	sadd.s32 $0x200, s17;
	s19 =	simm.s32 $0xC880  }
0xfb: {  	[tilespmem:s19], [sflag:$0x4] =	stream.indirect_vreg.gather [hbm4b:s14+s4], $0x80, v2, vm0, $0xb8;
	[tilespmem:$0x12080] =	vst v63  }
0xfc: {  	s16 =	sadd.s32 $0x4, s16;
	s6 =	sadd.s32 $0x4, s6;
	s20 =	simm.s32 $0xD080  }
0xfd: {  	[tilespmem:s20], [sflag:$0x4] =	stream.indirect_vreg.gather [hbm4b:s15+s4], $0x80, v2, vm0, $0xb8;
	[tilespmem:$0x12080] =	vst v63  }
.LBB2_8:
0xfe: {  	_ =	sfence.sel $0x180000  }
0xff: {  	[bflag:$0x0] =	sbarrier.arrive $0xFFFF  }
0x100: {  	_ =	strace $0x90000047  }
0x101: {  	s0 =	stileid.u32;
	[bflag:$0x2] =	sbarrier.arrive $0xFFFF  }
0x102: {  	p0 =	sne.s32 s0, $0x0;
	s0 =	rddreg [dreg:$0x3]  }
0x103: {  	s0 =	sadd.s32 @!p0 $0x100000, s0  }
0x104: {  	[sflag:s0] =	ssyncadd.tile.s32 @!p0 $0x1;
	_ =	shalt  }
.Lfunc_end2:
_tile_overlayer_lowered:
.L_overlay_start_2:
0x105: {  	(tag) =	ssettag $0x2  }
0x106: {  	s0 =	rddreg [dreg:$0x0];
	s2 =	stileid.u32  }
0x107: {  	s1 =	rddreg [dreg:$0x1];
	p0 =	sne.s32 s2, $0x0  }
0x108: {  	s3 =	rddreg [dreg:$0x2];
	[bflag:$0x3] =	sbarrier.arrive $0xFFFF;
	s2 =	simm.s32 @!p0 $0x1C0A  }
0x109: {  	[timem:s3], [sflag:s2] =	dma.local @!p0 [hbm:s0], s1  }
0x10a: {  	s0 =	simm.s32 @!p0 $0xA  }
0x10b: {  	_ =	swait.ge @!p0 [sflag:s0], s1  }
0x10c: {  	s1 =	ssub.s32 @!p0 $0x0, s1;
	[sflag:s0] =	ssyncset.done @!p0 $0x0  }
0x10d: {  	[sflag:s0] =	ssyncadd.s32 @!p0 s1  }
0x10e: {  	[bflag:$0x3] =	sbarrier.arrive $0xFFFF  }
0x10f: {  	_ =	shalt  }

</sc_bundles>
